<compile_context>
chip_gen: v7x
topology: tpu7x:2x2x1
jax: 0.10.2.dev20260603
libtpu: 0.0.44.dev20260713+nightly
codegen_flags: <defaults>
</compile_context>

<pallas_src>
import functools

import jax
import jax.numpy as jnp
from jax import lax
from jax.experimental import pallas as pl
from jax.experimental.pallas import tpu as pltpu
from jax.experimental.pallas import tpu_sc as plsc

BATCH = 4096
MAX_LEN = 200
EMB = 32
NC = 2
NS = 16
NW = NC * NS
BPW = BATCH // NW
UNROLL = 4


def _body(
    idxT_hbm, table_hbm, pos_hbm, out_hbm, idx_v, bufs, pos_v, sem_a, sem_b
):
    wid = lax.axis_index("s") * NC + lax.axis_index("c")
    pltpu.sync_copy(idxT_hbm.at[:, pl.ds(wid * BPW, BPW)], idx_v)
    pltpu.sync_copy(pos_hbm, pos_v)

    def gather(l, slot, sem):
        pltpu.async_copy(table_hbm.at[idx_v.at[l]], bufs.at[slot], sem)

    def consume(l, slot, sem):
        pltpu.make_async_copy(
            table_hbm.at[idx_v.at[l]], bufs.at[slot], sem
        ).wait()
        pos_h = [pos_v[l, pl.ds(16 * h, 16)] for h in range(2)]

        def tok_body(b4, carry2):
            for u in range(UNROLL):
                b = b4 * UNROLL + u
                for h in range(2):
                    bufs[slot, b, pl.ds(16 * h, 16)] = (
                        bufs[slot, b, pl.ds(16 * h, 16)] + pos_h[h]
                    )
            return carry2

        lax.fori_loop(0, BPW // UNROLL, tok_body, 0)
        pltpu.sync_copy(bufs.at[slot], out_hbm.at[l].at[wid])

    gather(0, 0, sem_a)

    def pos_body(i, carry):
        l0 = 2 * i
        gather(l0 + 1, 1, sem_b)
        consume(l0, 0, sem_a)
        gather(jnp.minimum(l0 + 2, MAX_LEN - 1), 0, sem_a)
        consume(l0 + 1, 1, sem_b)
        return carry

    lax.fori_loop(0, MAX_LEN // 2, pos_body, 0)
    pltpu.make_async_copy(
        table_hbm.at[idx_v.at[MAX_LEN - 1]], bufs.at[0], sem_a
    ).wait()


@jax.jit
def _run(idxT, token_table, pos_table):
    mesh = plsc.VectorSubcoreMesh(core_axis_name="c", subcore_axis_name="s")
    k = functools.partial(
        pl.kernel,
        mesh=mesh,
        out_type=jax.ShapeDtypeStruct((MAX_LEN, NW, BPW, EMB), jnp.float32),
        scratch_types=[
            pltpu.VMEM((MAX_LEN, BPW), jnp.int32),
            pltpu.VMEM((2, BPW, EMB), jnp.float32),
            pltpu.VMEM((MAX_LEN, EMB), jnp.float32),
            pltpu.SemaphoreType.DMA,
            pltpu.SemaphoreType.DMA,
        ],
        compiler_params=pltpu.CompilerParams(
            use_tc_tiling_on_sc=False, needs_layout_passes=False
        ),
    )(_body)
    return k(idxT, token_table, pos_table)


def kernel(batch_seqs, token_table, pos_table):
    out4 = _run(batch_seqs.T, token_table, pos_table)
    return out4.transpose(1, 2, 0, 3).reshape(BATCH, MAX_LEN, EMB)

# --- scband reference (transcript-rebuilt; emitter-appended) ---
"""Pipeline reference for scband-bertemb-layer-9277129360185 (READ-ONLY COPY).

The authoritative reference and input builder live on the scoring server;
editing this copy changes nothing except your own understanding.
"""

import jax, jax.numpy as jnp
import numpy as np

ITEM_NUM = 1000000
EMB_SIZE = 32
MAX_LEN = 200
BATCH = 4096


def setup_inputs(seed: int = 0) -> dict:
    key = jax.random.key(seed)
    k1, k2, k3 = jax.random.split(key, 3)
    batch_seqs = jax.random.randint(k1, (BATCH, MAX_LEN), 0, ITEM_NUM, dtype=jnp.int32)
    token_table = jax.random.normal(k2, (ITEM_NUM, EMB_SIZE), dtype=jnp.float32) * 0.02
    # padding_idx=0 row is initialized to zeros in torch nn.Embedding
    token_table = token_table.at[0].set(0.0)
    pos_table = jax.random.normal(k3, (MAX_LEN, EMB_SIZE), dtype=jnp.float32) * 0.02
    return {"batch_seqs": batch_seqs, "token_table": token_table, "pos_table": pos_table}


def reference(batch_seqs, token_table, pos_table):
    # token embedding gather
    tok = jnp.take(token_table, batch_seqs, axis=0)  # [B, L, D]
    # position embedding: full weight broadcast over batch (as in original: weight.unsqueeze(0).repeat(B,1,1))
    pos = pos_table[None, :, :]  # [1, L, D]
    x = tok + pos
    # dropout is identity in eval/deterministic reference
    return x

if __name__ == "__main__":
    import jax
    _d = setup_inputs()
    print(jax.jit(kernel)(*tuple(_d.values())))

</pallas_src>

<mosaic_0001>
#map = affine_map<(d0, d1) -> (0, 0)>
#map1 = affine_map<(d0, d1) -> (0, 0, 0, 0)>
module attributes {stable_mosaic.version = 14 : i64} {
  func.func @_body(%arg0: i32, %arg1: i32, %arg2: memref<200x4096xi32, #tpu.memory_space<hbm>>, %arg3: memref<1000000x32xf32, #tpu.memory_space<hbm>>, %arg4: memref<200x32xf32, #tpu.memory_space<hbm>>, %arg5: memref<200x32x128x32xf32, #tpu.memory_space<hbm>>, %arg6: memref<200x128xi32, #tpu.memory_space<vmem>>, %arg7: memref<2x128x32xf32, #tpu.memory_space<vmem>>, %arg8: memref<200x32xf32, #tpu.memory_space<vmem>>, %arg9: memref<!tpu.dma_semaphore, #tpu.memory_space<semaphore_mem>>, %arg10: memref<!tpu.dma_semaphore, #tpu.memory_space<semaphore_mem>>) attributes {dimension_semantics = [#tpu.dimension_semantics<core_parallel>, #tpu.dimension_semantics<subcore_parallel>], iteration_bounds = array<i64: 2, 16>, scalar_prefetch = 0 : i64, scratch_operands = 5 : i64, tpu.core_type = #tpu.core_type<sc_vector_subcore>, window_params = [{transform_indices = #map}, {transform_indices = #map}, {transform_indices = #map}, {transform_indices = #map1}]} {
    %mul3A = arith.constant 2 : i32
    %mul3A_0 = arith.muli %arg1, %mul3A : i32
    %add3A = arith.addi %mul3A_0, %arg0 : i32
    %mul3A_1 = arith.constant 128 : i32
    %mul3A_2 = arith.muli %add3A, %mul3A_1 : i32
    "tpu.region"() ({
      %run_scoped3A = tpu.sem_alloc : memref<!tpu.dma_semaphore, #tpu.memory_space<semaphore_mem>>
      %dma_start3A_30 = arith.constant 0 : i32
      %dma_start3A_31 = tpu.memref_slice %arg2[%dma_start3A_30, %mul3A_2] : memref<200x4096xi32, #tpu.memory_space<hbm>> -> memref<200x128xi32, #tpu.memory_space<hbm>>
      %dma_start3A_32 = arith.constant 0 : i32
      %dma_start3A_33 = tpu.memref_slice %arg2[%dma_start3A_32, %mul3A_2] : memref<200x4096xi32, #tpu.memory_space<hbm>> -> memref<200x128xi32, #tpu.memory_space<hbm>>
      tpu.enqueue_dma source(%dma_start3A_33 : memref<200x128xi32, #tpu.memory_space<hbm>>) target(%arg6 : memref<200x128xi32, #tpu.memory_space<vmem>>) target_semaphore(%run_scoped3A : memref<!tpu.dma_semaphore, #tpu.memory_space<semaphore_mem>>)
      %dma_wait3A_34 = arith.constant 0 : i32
      %dma_wait3A_35 = tpu.memref_slice %arg2[%dma_wait3A_34, %mul3A_2] : memref<200x4096xi32, #tpu.memory_space<hbm>> -> memref<200x128xi32, #tpu.memory_space<hbm>>
      %dma_wait3A_36 = arith.constant 0 : i32
      %dma_wait3A_37 = tpu.memref_slice %arg2[%dma_wait3A_36, %mul3A_2] : memref<200x4096xi32, #tpu.memory_space<hbm>> -> memref<200x128xi32, #tpu.memory_space<hbm>>
      tpu.wait_dma2 semaphore(%run_scoped3A : memref<!tpu.dma_semaphore, #tpu.memory_space<semaphore_mem>>) src(%dma_wait3A_37 : memref<200x128xi32, #tpu.memory_space<hbm>>) dst(%arg6 : memref<200x128xi32, #tpu.memory_space<vmem>>)
      tpu.yield
    }) : () -> ()
    "tpu.region"() ({
      %run_scoped3A = tpu.sem_alloc : memref<!tpu.dma_semaphore, #tpu.memory_space<semaphore_mem>>
      tpu.enqueue_dma source(%arg4 : memref<200x32xf32, #tpu.memory_space<hbm>>) target(%arg8 : memref<200x32xf32, #tpu.memory_space<vmem>>) target_semaphore(%run_scoped3A : memref<!tpu.dma_semaphore, #tpu.memory_space<semaphore_mem>>)
      tpu.wait_dma2 semaphore(%run_scoped3A : memref<!tpu.dma_semaphore, #tpu.memory_space<semaphore_mem>>) src(%arg4 : memref<200x32xf32, #tpu.memory_space<hbm>>) dst(%arg8 : memref<200x32xf32, #tpu.memory_space<vmem>>)
      tpu.yield
    }) : () -> ()
    %dma_start3A = arith.constant 0 : i32
    %dma_start3A_3 = arith.constant 0 : i32
    %dma_start3A_4 = arith.constant 0 : i32
    %dma_start3A_5 = arith.constant 0 : i32
    %dma_start3A_6 = tpu.memref_slice %arg7[%dma_start3A_3, %dma_start3A_4, %dma_start3A_5] : memref<2x128x32xf32, #tpu.memory_space<vmem>> -> memref<1x128x32xf32, #tpu.memory_space<vmem>>
    %dma_start3A_7 = tpu.memref_squeeze %dma_start3A_6 : memref<1x128x32xf32, #tpu.memory_space<vmem>> -> memref<128x32xf32, #tpu.memory_space<vmem>>
    %dma_start3A_8 = arith.constant 0 : i32
    %dma_start3A_9 = tpu.memref_slice %arg6[%dma_start3A, %dma_start3A_8] : memref<200x128xi32, #tpu.memory_space<vmem>> -> memref<1x128xi32, #tpu.memory_space<vmem>>
    %dma_start3A_10 = tpu.memref_squeeze %dma_start3A_9 : memref<1x128xi32, #tpu.memory_space<vmem>> -> memref<128xi32, #tpu.memory_space<vmem>>
    %dma_start3A_11 = arith.constant 0 : i32
    %dma_start3A_12 = arith.constant 0 : i32
    %dma_start3A_13 = tpu.memref_slice %arg3[%dma_start3A_11, %dma_start3A_12] : memref<1000000x32xf32, #tpu.memory_space<hbm>> -> memref<1000000x32xf32, #tpu.memory_space<hbm>>
    tpu.enqueue_indirect_dma source(%dma_start3A_13 : memref<1000000x32xf32, #tpu.memory_space<hbm>>) target(%dma_start3A_7 : memref<128x32xf32, #tpu.memory_space<vmem>>) offsets(%dma_start3A_10 : memref<128xi32, #tpu.memory_space<vmem>>) semaphore(%arg9 : memref<!tpu.dma_semaphore, #tpu.memory_space<semaphore_mem>>)
    %scan3A = arith.constant 0 : i32
    %scan3A_14 = arith.constant 0 : i32
    %scan3A_15 = arith.constant 100 : i32
    %scan3A_16 = arith.addi %scan3A_14, %scan3A_15 : i32
    %scan3A_17 = arith.constant 1 : i32
    scf.for %scan3A_30 = %scan3A_14 to %scan3A_16 step %scan3A_17  : i32 {
      %mul3A_31 = arith.constant 2 : i32
      %mul3A_32 = arith.muli %mul3A_31, %scan3A_30 : i32
      %add3A_33 = arith.constant 1 : i32
      %add3A_34 = arith.addi %mul3A_32, %add3A_33 : i32
      %dma_start3A_35 = arith.constant 1 : i32
      %dma_start3A_36 = arith.constant 0 : i32
      %dma_start3A_37 = arith.constant 0 : i32
      %dma_start3A_38 = tpu.memref_slice %arg7[%dma_start3A_35, %dma_start3A_36, %dma_start3A_37] : memref<2x128x32xf32, #tpu.memory_space<vmem>> -> memref<1x128x32xf32, #tpu.memory_space<vmem>>
      %dma_start3A_39 = tpu.memref_squeeze %dma_start3A_38 : memref<1x128x32xf32, #tpu.memory_space<vmem>> -> memref<128x32xf32, #tpu.memory_space<vmem>>
      %dma_start3A_40 = arith.constant 0 : i32
      %dma_start3A_41 = tpu.memref_slice %arg6[%add3A_34, %dma_start3A_40] : memref<200x128xi32, #tpu.memory_space<vmem>> -> memref<1x128xi32, #tpu.memory_space<vmem>>
      %dma_start3A_42 = tpu.memref_squeeze %dma_start3A_41 : memref<1x128xi32, #tpu.memory_space<vmem>> -> memref<128xi32, #tpu.memory_space<vmem>>
      %dma_start3A_43 = arith.constant 0 : i32
      %dma_start3A_44 = arith.constant 0 : i32
      %dma_start3A_45 = tpu.memref_slice %arg3[%dma_start3A_43, %dma_start3A_44] : memref<1000000x32xf32, #tpu.memory_space<hbm>> -> memref<1000000x32xf32, #tpu.memory_space<hbm>>
      tpu.enqueue_indirect_dma source(%dma_start3A_45 : memref<1000000x32xf32, #tpu.memory_space<hbm>>) target(%dma_start3A_39 : memref<128x32xf32, #tpu.memory_space<vmem>>) offsets(%dma_start3A_42 : memref<128xi32, #tpu.memory_space<vmem>>) semaphore(%arg10 : memref<!tpu.dma_semaphore, #tpu.memory_space<semaphore_mem>>)
      %dma_wait3A_46 = arith.constant 0 : i32
      %dma_wait3A_47 = arith.constant 0 : i32
      %dma_wait3A_48 = arith.constant 0 : i32
      %dma_wait3A_49 = tpu.memref_slice %arg7[%dma_wait3A_46, %dma_wait3A_47, %dma_wait3A_48] : memref<2x128x32xf32, #tpu.memory_space<vmem>> -> memref<1x128x32xf32, #tpu.memory_space<vmem>>
      %dma_wait3A_50 = tpu.memref_squeeze %dma_wait3A_49 : memref<1x128x32xf32, #tpu.memory_space<vmem>> -> memref<128x32xf32, #tpu.memory_space<vmem>>
      %dma_wait3A_51 = arith.constant 0 : i32
      %dma_wait3A_52 = tpu.memref_slice %arg6[%mul3A_32, %dma_wait3A_51] : memref<200x128xi32, #tpu.memory_space<vmem>> -> memref<1x128xi32, #tpu.memory_space<vmem>>
      %dma_wait3A_53 = tpu.memref_squeeze %dma_wait3A_52 : memref<1x128xi32, #tpu.memory_space<vmem>> -> memref<128xi32, #tpu.memory_space<vmem>>
      %dma_wait3A_54 = arith.constant 0 : i32
      %dma_wait3A_55 = arith.constant 0 : i32
      %dma_wait3A_56 = tpu.memref_slice %arg3[%dma_wait3A_54, %dma_wait3A_55] : memref<1000000x32xf32, #tpu.memory_space<hbm>> -> memref<1000000x32xf32, #tpu.memory_space<hbm>>
      tpu.wait_indirect_dma semaphore(%arg9 : memref<!tpu.dma_semaphore, #tpu.memory_space<semaphore_mem>>) src(%dma_wait3A_56 : memref<1000000x32xf32, #tpu.memory_space<hbm>>) dst(%dma_wait3A_50 : memref<128x32xf32, #tpu.memory_space<vmem>>)
      %get3A = arith.index_cast %mul3A_32 : i32 to index
      %get3A_57 = arith.constant 0 : index
      %get3A_58 = tpu.vector_load %arg8[%get3A, %get3A_57] {strides = array<i32>} : memref<200x32xf32, #tpu.memory_space<vmem>>, vector<16xf32>,
      %get3A_59 = arith.index_cast %mul3A_32 : i32 to index
      %get3A_60 = arith.constant 16 : index
      %get3A_61 = tpu.vector_load %arg8[%get3A_59, %get3A_60] {strides = array<i32>} : memref<200x32xf32, #tpu.memory_space<vmem>>, vector<16xf32>,
      %scan3A_62 = arith.constant 0 : i32
      %scan3A_63 = arith.constant 0 : i32
      %scan3A_64 = arith.constant 32 : i32
      %scan3A_65 = arith.addi %scan3A_63, %scan3A_64 : i32
      %scan3A_66 = arith.constant 1 : i32
      scf.for %scan3A_108 = %scan3A_63 to %scan3A_65 step %scan3A_66  : i32 {
        %mul3A_109 = arith.constant 4 : i32
        %mul3A_110 = arith.muli %scan3A_108, %mul3A_109 : i32
        %add3A_111 = arith.constant 0 : i32
        %add3A_112 = arith.addi %mul3A_110, %add3A_111 : i32
        %get3A_113 = arith.constant 0 : i32
        %get3A_114 = arith.index_cast %get3A_113 : i32 to index
        %get3A_115 = arith.index_cast %add3A_112 : i32 to index
        %get3A_116 = arith.constant 0 : index
        %get3A_117 = tpu.vector_load %arg7[%get3A_114, %get3A_115, %get3A_116] {strides = array<i32>} : memref<2x128x32xf32, #tpu.memory_space<vmem>>, vector<16xf32>,
        %add3A_118 = arith.addf %get3A_117, %get3A_58 : vector<16xf32>
        %swap3A = arith.constant 0 : i32
        %swap3A_119 = arith.index_cast %swap3A : i32 to index
        %swap3A_120 = arith.index_cast %add3A_112 : i32 to index
        %swap3A_121 = arith.constant 0 : index
        %swap3A_122 = tpu.vector_load %arg7[%swap3A_119, %swap3A_120, %swap3A_121] {strides = array<i32>} : memref<2x128x32xf32, #tpu.memory_space<vmem>>, vector<16xf32>,
        tpu.vector_store %arg7[%swap3A_119, %swap3A_120, %swap3A_121], %add3A_118 {strides = array<i32>} : memref<2x128x32xf32, #tpu.memory_space<vmem>>, vector<16xf32>,
        %get3A_123 = arith.constant 0 : i32
        %get3A_124 = arith.index_cast %get3A_123 : i32 to index
        %get3A_125 = arith.index_cast %add3A_112 : i32 to index
        %get3A_126 = arith.constant 16 : index
        %get3A_127 = tpu.vector_load %arg7[%get3A_124, %get3A_125, %get3A_126] {strides = array<i32>} : memref<2x128x32xf32, #tpu.memory_space<vmem>>, vector<16xf32>,
        %add3A_128 = arith.addf %get3A_127, %get3A_61 : vector<16xf32>
        %swap3A_129 = arith.constant 0 : i32
        %swap3A_130 = arith.index_cast %swap3A_129 : i32 to index
        %swap3A_131 = arith.index_cast %add3A_112 : i32 to index
        %swap3A_132 = arith.constant 16 : index
        %swap3A_133 = tpu.vector_load %arg7[%swap3A_130, %swap3A_131, %swap3A_132] {strides = array<i32>} : memref<2x128x32xf32, #tpu.memory_space<vmem>>, vector<16xf32>,
        tpu.vector_store %arg7[%swap3A_130, %swap3A_131, %swap3A_132], %add3A_128 {strides = array<i32>} : memref<2x128x32xf32, #tpu.memory_space<vmem>>, vector<16xf32>,
        %mul3A_134 = arith.constant 4 : i32
        %mul3A_135 = arith.muli %scan3A_108, %mul3A_134 : i32
        %add3A_136 = arith.constant 1 : i32
        %add3A_137 = arith.addi %mul3A_135, %add3A_136 : i32
        %get3A_138 = arith.constant 0 : i32
        %get3A_139 = arith.index_cast %get3A_138 : i32 to index
        %get3A_140 = arith.index_cast %add3A_137 : i32 to index
        %get3A_141 = arith.constant 0 : index
        %get3A_142 = tpu.vector_load %arg7[%get3A_139, %get3A_140, %get3A_141] {strides = array<i32>} : memref<2x128x32xf32, #tpu.memory_space<vmem>>, vector<16xf32>,
        %add3A_143 = arith.addf %get3A_142, %get3A_58 : vector<16xf32>
        %swap3A_144 = arith.constant 0 : i32
        %swap3A_145 = arith.index_cast %swap3A_144 : i32 to index
        %swap3A_146 = arith.index_cast %add3A_137 : i32 to index
        %swap3A_147 = arith.constant 0 : index
        %swap3A_148 = tpu.vector_load %arg7[%swap3A_145, %swap3A_146, %swap3A_147] {strides = array<i32>} : memref<2x128x32xf32, #tpu.memory_space<vmem>>, vector<16xf32>,
        tpu.vector_store %arg7[%swap3A_145, %swap3A_146, %swap3A_147], %add3A_143 {strides = array<i32>} : memref<2x128x32xf32, #tpu.memory_space<vmem>>, vector<16xf32>,
        %get3A_149 = arith.constant 0 : i32
        %get3A_150 = arith.index_cast %get3A_149 : i32 to index
        %get3A_151 = arith.index_cast %add3A_137 : i32 to index
        %get3A_152 = arith.constant 16 : index
        %get3A_153 = tpu.vector_load %arg7[%get3A_150, %get3A_151, %get3A_152] {strides = array<i32>} : memref<2x128x32xf32, #tpu.memory_space<vmem>>, vector<16xf32>,
        %add3A_154 = arith.addf %get3A_153, %get3A_61 : vector<16xf32>
        %swap3A_155 = arith.constant 0 : i32
        %swap3A_156 = arith.index_cast %swap3A_155 : i32 to index
        %swap3A_157 = arith.index_cast %add3A_137 : i32 to index
        %swap3A_158 = arith.constant 16 : index
        %swap3A_159 = tpu.vector_load %arg7[%swap3A_156, %swap3A_157, %swap3A_158] {strides = array<i32>} : memref<2x128x32xf32, #tpu.memory_space<vmem>>, vector<16xf32>,
        tpu.vector_store %arg7[%swap3A_156, %swap3A_157, %swap3A_158], %add3A_154 {strides = array<i32>} : memref<2x128x32xf32, #tpu.memory_space<vmem>>, vector<16xf32>,
        %mul3A_160 = arith.constant 4 : i32
        %mul3A_161 = arith.muli %scan3A_108, %mul3A_160 : i32
        %add3A_162 = arith.constant 2 : i32
        %add3A_163 = arith.addi %mul3A_161, %add3A_162 : i32
        %get3A_164 = arith.constant 0 : i32
        %get3A_165 = arith.index_cast %get3A_164 : i32 to index
        %get3A_166 = arith.index_cast %add3A_163 : i32 to index
        %get3A_167 = arith.constant 0 : index
        %get3A_168 = tpu.vector_load %arg7[%get3A_165, %get3A_166, %get3A_167] {strides = array<i32>} : memref<2x128x32xf32, #tpu.memory_space<vmem>>, vector<16xf32>,
        %add3A_169 = arith.addf %get3A_168, %get3A_58 : vector<16xf32>
        %swap3A_170 = arith.constant 0 : i32
        %swap3A_171 = arith.index_cast %swap3A_170 : i32 to index
        %swap3A_172 = arith.index_cast %add3A_163 : i32 to index
        %swap3A_173 = arith.constant 0 : index
        %swap3A_174 = tpu.vector_load %arg7[%swap3A_171, %swap3A_172, %swap3A_173] {strides = array<i32>} : memref<2x128x32xf32, #tpu.memory_space<vmem>>, vector<16xf32>,
        tpu.vector_store %arg7[%swap3A_171, %swap3A_172, %swap3A_173], %add3A_169 {strides = array<i32>} : memref<2x128x32xf32, #tpu.memory_space<vmem>>, vector<16xf32>,
        %get3A_175 = arith.constant 0 : i32
        %get3A_176 = arith.index_cast %get3A_175 : i32 to index
        %get3A_177 = arith.index_cast %add3A_163 : i32 to index
        %get3A_178 = arith.constant 16 : index
        %get3A_179 = tpu.vector_load %arg7[%get3A_176, %get3A_177, %get3A_178] {strides = array<i32>} : memref<2x128x32xf32, #tpu.memory_space<vmem>>, vector<16xf32>,
        %add3A_180 = arith.addf %get3A_179, %get3A_61 : vector<16xf32>
        %swap3A_181 = arith.constant 0 : i32
        %swap3A_182 = arith.index_cast %swap3A_181 : i32 to index
        %swap3A_183 = arith.index_cast %add3A_163 : i32 to index
        %swap3A_184 = arith.constant 16 : index
        %swap3A_185 = tpu.vector_load %arg7[%swap3A_182, %swap3A_183, %swap3A_184] {strides = array<i32>} : memref<2x128x32xf32, #tpu.memory_space<vmem>>, vector<16xf32>,
        tpu.vector_store %arg7[%swap3A_182, %swap3A_183, %swap3A_184], %add3A_180 {strides = array<i32>} : memref<2x128x32xf32, #tpu.memory_space<vmem>>, vector<16xf32>,
        %mul3A_186 = arith.constant 4 : i32
        %mul3A_187 = arith.muli %scan3A_108, %mul3A_186 : i32
        %add3A_188 = arith.constant 3 : i32
        %add3A_189 = arith.addi %mul3A_187, %add3A_188 : i32
        %get3A_190 = arith.constant 0 : i32
        %get3A_191 = arith.index_cast %get3A_190 : i32 to index
        %get3A_192 = arith.index_cast %add3A_189 : i32 to index
        %get3A_193 = arith.constant 0 : index
        %get3A_194 = tpu.vector_load %arg7[%get3A_191, %get3A_192, %get3A_193] {strides = array<i32>} : memref<2x128x32xf32, #tpu.memory_space<vmem>>, vector<16xf32>,
        %add3A_195 = arith.addf %get3A_194, %get3A_58 : vector<16xf32>
        %swap3A_196 = arith.constant 0 : i32
        %swap3A_197 = arith.index_cast %swap3A_196 : i32 to index
        %swap3A_198 = arith.index_cast %add3A_189 : i32 to index
        %swap3A_199 = arith.constant 0 : index
        %swap3A_200 = tpu.vector_load %arg7[%swap3A_197, %swap3A_198, %swap3A_199] {strides = array<i32>} : memref<2x128x32xf32, #tpu.memory_space<vmem>>, vector<16xf32>,
        tpu.vector_store %arg7[%swap3A_197, %swap3A_198, %swap3A_199], %add3A_195 {strides = array<i32>} : memref<2x128x32xf32, #tpu.memory_space<vmem>>, vector<16xf32>,
        %get3A_201 = arith.constant 0 : i32
        %get3A_202 = arith.index_cast %get3A_201 : i32 to index
        %get3A_203 = arith.index_cast %add3A_189 : i32 to index
        %get3A_204 = arith.constant 16 : index
        %get3A_205 = tpu.vector_load %arg7[%get3A_202, %get3A_203, %get3A_204] {strides = array<i32>} : memref<2x128x32xf32, #tpu.memory_space<vmem>>, vector<16xf32>,
        %add3A_206 = arith.addf %get3A_205, %get3A_61 : vector<16xf32>
        %swap3A_207 = arith.constant 0 : i32
        %swap3A_208 = arith.index_cast %swap3A_207 : i32 to index
        %swap3A_209 = arith.index_cast %add3A_189 : i32 to index
        %swap3A_210 = arith.constant 16 : index
        %swap3A_211 = tpu.vector_load %arg7[%swap3A_208, %swap3A_209, %swap3A_210] {strides = array<i32>} : memref<2x128x32xf32, #tpu.memory_space<vmem>>, vector<16xf32>,
        tpu.vector_store %arg7[%swap3A_208, %swap3A_209, %swap3A_210], %add3A_206 {strides = array<i32>} : memref<2x128x32xf32, #tpu.memory_space<vmem>>, vector<16xf32>,
      }
      %scan3A_67 = arith.constant 32 : i32
      %run_scoped3A = arith.constant 0 : i32
      "tpu.region"() ({
        %run_scoped3A_108 = tpu.sem_alloc : memref<!tpu.dma_semaphore, #tpu.memory_space<semaphore_mem>>
        %dma_start3A_109 = arith.constant 0 : i32
        %dma_start3A_110 = arith.constant 0 : i32
        %dma_start3A_111 = tpu.memref_slice %arg7[%run_scoped3A, %dma_start3A_109, %dma_start3A_110] : memref<2x128x32xf32, #tpu.memory_space<vmem>> -> memref<1x128x32xf32, #tpu.memory_space<vmem>>
        %dma_start3A_112 = tpu.memref_squeeze %dma_start3A_111 : memref<1x128x32xf32, #tpu.memory_space<vmem>> -> memref<128x32xf32, #tpu.memory_space<vmem>>
        %dma_start3A_113 = arith.constant 0 : i32
        %dma_start3A_114 = arith.constant 0 : i32
        %dma_start3A_115 = arith.constant 0 : i32
        %dma_start3A_116 = tpu.memref_slice %arg5[%mul3A_32, %dma_start3A_113, %dma_start3A_114, %dma_start3A_115] : memref<200x32x128x32xf32, #tpu.memory_space<hbm>> -> memref<1x32x128x32xf32, #tpu.memory_space<hbm>>
        %dma_start3A_117 = tpu.memref_squeeze %dma_start3A_116 : memref<1x32x128x32xf32, #tpu.memory_space<hbm>> -> memref<32x128x32xf32, #tpu.memory_space<hbm>>
        %dma_start3A_118 = arith.constant 0 : i32
        %dma_start3A_119 = arith.constant 0 : i32
        %dma_start3A_120 = tpu.memref_slice %dma_start3A_117[%add3A, %dma_start3A_118, %dma_start3A_119] : memref<32x128x32xf32, #tpu.memory_space<hbm>> -> memref<1x128x32xf32, #tpu.memory_space<hbm>>
        %dma_start3A_121 = tpu.memref_squeeze %dma_start3A_120 : memref<1x128x32xf32, #tpu.memory_space<hbm>> -> memref<128x32xf32, #tpu.memory_space<hbm>>
        %dma_start3A_122 = arith.constant 0 : i32
        %dma_start3A_123 = arith.constant 0 : i32
        %dma_start3A_124 = arith.constant 0 : i32
        %dma_start3A_125 = tpu.memref_slice %arg5[%mul3A_32, %dma_start3A_122, %dma_start3A_123, %dma_start3A_124] : memref<200x32x128x32xf32, #tpu.memory_space<hbm>> -> memref<1x32x128x32xf32, #tpu.memory_space<hbm>>
        %dma_start3A_126 = tpu.memref_squeeze %dma_start3A_125 : memref<1x32x128x32xf32, #tpu.memory_space<hbm>> -> memref<32x128x32xf32, #tpu.memory_space<hbm>>
        %dma_start3A_127 = arith.constant 0 : i32
        %dma_start3A_128 = arith.constant 0 : i32
        %dma_start3A_129 = tpu.memref_slice %dma_start3A_126[%add3A, %dma_start3A_127, %dma_start3A_128] : memref<32x128x32xf32, #tpu.memory_space<hbm>> -> memref<1x128x32xf32, #tpu.memory_space<hbm>>
        %dma_start3A_130 = tpu.memref_squeeze %dma_start3A_129 : memref<1x128x32xf32, #tpu.memory_space<hbm>> -> memref<128x32xf32, #tpu.memory_space<hbm>>
        %dma_start3A_131 = arith.constant 0 : i32
        %dma_start3A_132 = arith.constant 0 : i32
        %dma_start3A_133 = tpu.memref_slice %arg7[%run_scoped3A, %dma_start3A_131, %dma_start3A_132] : memref<2x128x32xf32, #tpu.memory_space<vmem>> -> memref<1x128x32xf32, #tpu.memory_space<vmem>>
        %dma_start3A_134 = tpu.memref_squeeze %dma_start3A_133 : memref<1x128x32xf32, #tpu.memory_space<vmem>> -> memref<128x32xf32, #tpu.memory_space<vmem>>
        tpu.enqueue_dma source(%dma_start3A_134 : memref<128x32xf32, #tpu.memory_space<vmem>>) target(%dma_start3A_130 : memref<128x32xf32, #tpu.memory_space<hbm>>) target_semaphore(%run_scoped3A_108 : memref<!tpu.dma_semaphore, #tpu.memory_space<semaphore_mem>>)
        %dma_wait3A_135 = arith.constant 0 : i32
        %dma_wait3A_136 = arith.constant 0 : i32
        %dma_wait3A_137 = tpu.memref_slice %arg7[%run_scoped3A, %dma_wait3A_135, %dma_wait3A_136] : memref<2x128x32xf32, #tpu.memory_space<vmem>> -> memref<1x128x32xf32, #tpu.memory_space<vmem>>
        %dma_wait3A_138 = tpu.memref_squeeze %dma_wait3A_137 : memref<1x128x32xf32, #tpu.memory_space<vmem>> -> memref<128x32xf32, #tpu.memory_space<vmem>>
        %dma_wait3A_139 = arith.constant 0 : i32
        %dma_wait3A_140 = arith.constant 0 : i32
        %dma_wait3A_141 = arith.constant 0 : i32
        %dma_wait3A_142 = tpu.memref_slice %arg5[%mul3A_32, %dma_wait3A_139, %dma_wait3A_140, %dma_wait3A_141] : memref<200x32x128x32xf32, #tpu.memory_space<hbm>> -> memref<1x32x128x32xf32, #tpu.memory_space<hbm>>
        %dma_wait3A_143 = tpu.memref_squeeze %dma_wait3A_142 : memref<1x32x128x32xf32, #tpu.memory_space<hbm>> -> memref<32x128x32xf32, #tpu.memory_space<hbm>>
        %dma_wait3A_144 = arith.constant 0 : i32
        %dma_wait3A_145 = arith.constant 0 : i32
        %dma_wait3A_146 = tpu.memref_slice %dma_wait3A_143[%add3A, %dma_wait3A_144, %dma_wait3A_145] : memref<32x128x32xf32, #tpu.memory_space<hbm>> -> memref<1x128x32xf32, #tpu.memory_space<hbm>>
        %dma_wait3A_147 = tpu.memref_squeeze %dma_wait3A_146 : memref<1x128x32xf32, #tpu.memory_space<hbm>> -> memref<128x32xf32, #tpu.memory_space<hbm>>
        %dma_wait3A_148 = arith.constant 0 : i32
        %dma_wait3A_149 = arith.constant 0 : i32
        %dma_wait3A_150 = arith.constant 0 : i32
        %dma_wait3A_151 = tpu.memref_slice %arg5[%mul3A_32, %dma_wait3A_148, %dma_wait3A_149, %dma_wait3A_150] : memref<200x32x128x32xf32, #tpu.memory_space<hbm>> -> memref<1x32x128x32xf32, #tpu.memory_space<hbm>>
        %dma_wait3A_152 = tpu.memref_squeeze %dma_wait3A_151 : memref<1x32x128x32xf32, #tpu.memory_space<hbm>> -> memref<32x128x32xf32, #tpu.memory_space<hbm>>
        %dma_wait3A_153 = arith.constant 0 : i32
        %dma_wait3A_154 = arith.constant 0 : i32
        %dma_wait3A_155 = tpu.memref_slice %dma_wait3A_152[%add3A, %dma_wait3A_153, %dma_wait3A_154] : memref<32x128x32xf32, #tpu.memory_space<hbm>> -> memref<1x128x32xf32, #tpu.memory_space<hbm>>
        %dma_wait3A_156 = tpu.memref_squeeze %dma_wait3A_155 : memref<1x128x32xf32, #tpu.memory_space<hbm>> -> memref<128x32xf32, #tpu.memory_space<hbm>>
        %dma_wait3A_157 = arith.constant 0 : i32
        %dma_wait3A_158 = arith.constant 0 : i32
        %dma_wait3A_159 = tpu.memref_slice %arg7[%run_scoped3A, %dma_wait3A_157, %dma_wait3A_158] : memref<2x128x32xf32, #tpu.memory_space<vmem>> -> memref<1x128x32xf32, #tpu.memory_space<vmem>>
        %dma_wait3A_160 = tpu.memref_squeeze %dma_wait3A_159 : memref<1x128x32xf32, #tpu.memory_space<vmem>> -> memref<128x32xf32, #tpu.memory_space<vmem>>
        tpu.wait_dma2 semaphore(%run_scoped3A_108 : memref<!tpu.dma_semaphore, #tpu.memory_space<semaphore_mem>>) src(%dma_wait3A_160 : memref<128x32xf32, #tpu.memory_space<vmem>>) dst(%dma_wait3A_156 : memref<128x32xf32, #tpu.memory_space<hbm>>)
        tpu.yield
      }) : () -> ()
      %add3A_68 = arith.constant 2 : i32
      %add3A_69 = arith.addi %mul3A_32, %add3A_68 : i32
      %min3A = arith.constant 199 : i32
      %min3A_70 = arith.minsi %add3A_69, %min3A : i32
      %dma_start3A_71 = arith.constant 0 : i32
      %dma_start3A_72 = arith.constant 0 : i32
      %dma_start3A_73 = arith.constant 0 : i32
      %dma_start3A_74 = tpu.memref_slice %arg7[%dma_start3A_71, %dma_start3A_72, %dma_start3A_73] : memref<2x128x32xf32, #tpu.memory_space<vmem>> -> memref<1x128x32xf32, #tpu.memory_space<vmem>>
      %dma_start3A_75 = tpu.memref_squeeze %dma_start3A_74 : memref<1x128x32xf32, #tpu.memory_space<vmem>> -> memref<128x32xf32, #tpu.memory_space<vmem>>
      %dma_start3A_76 = arith.constant 0 : i32
      %dma_start3A_77 = tpu.memref_slice %arg6[%min3A_70, %dma_start3A_76] : memref<200x128xi32, #tpu.memory_space<vmem>> -> memref<1x128xi32, #tpu.memory_space<vmem>>
      %dma_start3A_78 = tpu.memref_squeeze %dma_start3A_77 : memref<1x128xi32, #tpu.memory_space<vmem>> -> memref<128xi32, #tpu.memory_space<vmem>>
      %dma_start3A_79 = arith.constant 0 : i32
      %dma_start3A_80 = arith.constant 0 : i32
      %dma_start3A_81 = tpu.memref_slice %arg3[%dma_start3A_79, %dma_start3A_80] : memref<1000000x32xf32, #tpu.memory_space<hbm>> -> memref<1000000x32xf32, #tpu.memory_space<hbm>>
      tpu.enqueue_indirect_dma source(%dma_start3A_81 : memref<1000000x32xf32, #tpu.memory_space<hbm>>) target(%dma_start3A_75 : memref<128x32xf32, #tpu.memory_space<vmem>>) offsets(%dma_start3A_78 : memref<128xi32, #tpu.memory_space<vmem>>) semaphore(%arg9 : memref<!tpu.dma_semaphore, #tpu.memory_space<semaphore_mem>>)
      %add3A_82 = arith.constant 1 : i32
      %add3A_83 = arith.addi %mul3A_32, %add3A_82 : i32
      %dma_wait3A_84 = arith.constant 1 : i32
      %dma_wait3A_85 = arith.constant 0 : i32
      %dma_wait3A_86 = arith.constant 0 : i32
      %dma_wait3A_87 = tpu.memref_slice %arg7[%dma_wait3A_84, %dma_wait3A_85, %dma_wait3A_86] : memref<2x128x32xf32, #tpu.memory_space<vmem>> -> memref<1x128x32xf32, #tpu.memory_space<vmem>>
      %dma_wait3A_88 = tpu.memref_squeeze %dma_wait3A_87 : memref<1x128x32xf32, #tpu.memory_space<vmem>> -> memref<128x32xf32, #tpu.memory_space<vmem>>
      %dma_wait3A_89 = arith.constant 0 : i32
      %dma_wait3A_90 = tpu.memref_slice %arg6[%add3A_83, %dma_wait3A_89] : memref<200x128xi32, #tpu.memory_space<vmem>> -> memref<1x128xi32, #tpu.memory_space<vmem>>
      %dma_wait3A_91 = tpu.memref_squeeze %dma_wait3A_90 : memref<1x128xi32, #tpu.memory_space<vmem>> -> memref<128xi32, #tpu.memory_space<vmem>>
      %dma_wait3A_92 = arith.constant 0 : i32
      %dma_wait3A_93 = arith.constant 0 : i32
      %dma_wait3A_94 = tpu.memref_slice %arg3[%dma_wait3A_92, %dma_wait3A_93] : memref<1000000x32xf32, #tpu.memory_space<hbm>> -> memref<1000000x32xf32, #tpu.memory_space<hbm>>
      tpu.wait_indirect_dma semaphore(%arg10 : memref<!tpu.dma_semaphore, #tpu.memory_space<semaphore_mem>>) src(%dma_wait3A_94 : memref<1000000x32xf32, #tpu.memory_space<hbm>>) dst(%dma_wait3A_88 : memref<128x32xf32, #tpu.memory_space<vmem>>)
      %get3A_95 = arith.index_cast %add3A_83 : i32 to index
      %get3A_96 = arith.constant 0 : index
      %get3A_97 = tpu.vector_load %arg8[%get3A_95, %get3A_96] {strides = array<i32>} : memref<200x32xf32, #tpu.memory_space<vmem>>, vector<16xf32>,
      %get3A_98 = arith.index_cast %add3A_83 : i32 to index
      %get3A_99 = arith.constant 16 : index
      %get3A_100 = tpu.vector_load %arg8[%get3A_98, %get3A_99] {strides = array<i32>} : memref<200x32xf32, #tpu.memory_space<vmem>>, vector<16xf32>,
      %scan3A_101 = arith.constant 0 : i32
      %scan3A_102 = arith.constant 0 : i32
      %scan3A_103 = arith.constant 32 : i32
      %scan3A_104 = arith.addi %scan3A_102, %scan3A_103 : i32
      %scan3A_105 = arith.constant 1 : i32
      scf.for %scan3A_108 = %scan3A_102 to %scan3A_104 step %scan3A_105  : i32 {
        %mul3A_109 = arith.constant 4 : i32
        %mul3A_110 = arith.muli %scan3A_108, %mul3A_109 : i32
        %add3A_111 = arith.constant 0 : i32
        %add3A_112 = arith.addi %mul3A_110, %add3A_111 : i32
        %get3A_113 = arith.constant 1 : i32
        %get3A_114 = arith.index_cast %get3A_113 : i32 to index
        %get3A_115 = arith.index_cast %add3A_112 : i32 to index
        %get3A_116 = arith.constant 0 : index
        %get3A_117 = tpu.vector_load %arg7[%get3A_114, %get3A_115, %get3A_116] {strides = array<i32>} : memref<2x128x32xf32, #tpu.memory_space<vmem>>, vector<16xf32>,
        %add3A_118 = arith.addf %get3A_117, %get3A_97 : vector<16xf32>
        %swap3A = arith.constant 1 : i32
        %swap3A_119 = arith.index_cast %swap3A : i32 to index
        %swap3A_120 = arith.index_cast %add3A_112 : i32 to index
        %swap3A_121 = arith.constant 0 : index
        %swap3A_122 = tpu.vector_load %arg7[%swap3A_119, %swap3A_120, %swap3A_121] {strides = array<i32>} : memref<2x128x32xf32, #tpu.memory_space<vmem>>, vector<16xf32>,
        tpu.vector_store %arg7[%swap3A_119, %swap3A_120, %swap3A_121], %add3A_118 {strides = array<i32>} : memref<2x128x32xf32, #tpu.memory_space<vmem>>, vector<16xf32>,
        %get3A_123 = arith.constant 1 : i32
        %get3A_124 = arith.index_cast %get3A_123 : i32 to index
        %get3A_125 = arith.index_cast %add3A_112 : i32 to index
        %get3A_126 = arith.constant 16 : index
        %get3A_127 = tpu.vector_load %arg7[%get3A_124, %get3A_125, %get3A_126] {strides = array<i32>} : memref<2x128x32xf32, #tpu.memory_space<vmem>>, vector<16xf32>,
        %add3A_128 = arith.addf %get3A_127, %get3A_100 : vector<16xf32>
        %swap3A_129 = arith.constant 1 : i32
        %swap3A_130 = arith.index_cast %swap3A_129 : i32 to index
        %swap3A_131 = arith.index_cast %add3A_112 : i32 to index
        %swap3A_132 = arith.constant 16 : index
        %swap3A_133 = tpu.vector_load %arg7[%swap3A_130, %swap3A_131, %swap3A_132] {strides = array<i32>} : memref<2x128x32xf32, #tpu.memory_space<vmem>>, vector<16xf32>,
        tpu.vector_store %arg7[%swap3A_130, %swap3A_131, %swap3A_132], %add3A_128 {strides = array<i32>} : memref<2x128x32xf32, #tpu.memory_space<vmem>>, vector<16xf32>,
        %mul3A_134 = arith.constant 4 : i32
        %mul3A_135 = arith.muli %scan3A_108, %mul3A_134 : i32
        %add3A_136 = arith.constant 1 : i32
        %add3A_137 = arith.addi %mul3A_135, %add3A_136 : i32
        %get3A_138 = arith.constant 1 : i32
        %get3A_139 = arith.index_cast %get3A_138 : i32 to index
        %get3A_140 = arith.index_cast %add3A_137 : i32 to index
        %get3A_141 = arith.constant 0 : index
        %get3A_142 = tpu.vector_load %arg7[%get3A_139, %get3A_140, %get3A_141] {strides = array<i32>} : memref<2x128x32xf32, #tpu.memory_space<vmem>>, vector<16xf32>,
        %add3A_143 = arith.addf %get3A_142, %get3A_97 : vector<16xf32>
        %swap3A_144 = arith.constant 1 : i32
        %swap3A_145 = arith.index_cast %swap3A_144 : i32 to index
        %swap3A_146 = arith.index_cast %add3A_137 : i32 to index
        %swap3A_147 = arith.constant 0 : index
        %swap3A_148 = tpu.vector_load %arg7[%swap3A_145, %swap3A_146, %swap3A_147] {strides = array<i32>} : memref<2x128x32xf32, #tpu.memory_space<vmem>>, vector<16xf32>,
        tpu.vector_store %arg7[%swap3A_145, %swap3A_146, %swap3A_147], %add3A_143 {strides = array<i32>} : memref<2x128x32xf32, #tpu.memory_space<vmem>>, vector<16xf32>,
        %get3A_149 = arith.constant 1 : i32
        %get3A_150 = arith.index_cast %get3A_149 : i32 to index
        %get3A_151 = arith.index_cast %add3A_137 : i32 to index
        %get3A_152 = arith.constant 16 : index
        %get3A_153 = tpu.vector_load %arg7[%get3A_150, %get3A_151, %get3A_152] {strides = array<i32>} : memref<2x128x32xf32, #tpu.memory_space<vmem>>, vector<16xf32>,
        %add3A_154 = arith.addf %get3A_153, %get3A_100 : vector<16xf32>
        %swap3A_155 = arith.constant 1 : i32
        %swap3A_156 = arith.index_cast %swap3A_155 : i32 to index
        %swap3A_157 = arith.index_cast %add3A_137 : i32 to index
        %swap3A_158 = arith.constant 16 : index
        %swap3A_159 = tpu.vector_load %arg7[%swap3A_156, %swap3A_157, %swap3A_158] {strides = array<i32>} : memref<2x128x32xf32, #tpu.memory_space<vmem>>, vector<16xf32>,
        tpu.vector_store %arg7[%swap3A_156, %swap3A_157, %swap3A_158], %add3A_154 {strides = array<i32>} : memref<2x128x32xf32, #tpu.memory_space<vmem>>, vector<16xf32>,
        %mul3A_160 = arith.constant 4 : i32
        %mul3A_161 = arith.muli %scan3A_108, %mul3A_160 : i32
        %add3A_162 = arith.constant 2 : i32
        %add3A_163 = arith.addi %mul3A_161, %add3A_162 : i32
        %get3A_164 = arith.constant 1 : i32
        %get3A_165 = arith.index_cast %get3A_164 : i32 to index
        %get3A_166 = arith.index_cast %add3A_163 : i32 to index
        %get3A_167 = arith.constant 0 : index
        %get3A_168 = tpu.vector_load %arg7[%get3A_165, %get3A_166, %get3A_167] {strides = array<i32>} : memref<2x128x32xf32, #tpu.memory_space<vmem>>, vector<16xf32>,
        %add3A_169 = arith.addf %get3A_168, %get3A_97 : vector<16xf32>
        %swap3A_170 = arith.constant 1 : i32
        %swap3A_171 = arith.index_cast %swap3A_170 : i32 to index
        %swap3A_172 = arith.index_cast %add3A_163 : i32 to index
        %swap3A_173 = arith.constant 0 : index
        %swap3A_174 = tpu.vector_load %arg7[%swap3A_171, %swap3A_172, %swap3A_173] {strides = array<i32>} : memref<2x128x32xf32, #tpu.memory_space<vmem>>, vector<16xf32>,
        tpu.vector_store %arg7[%swap3A_171, %swap3A_172, %swap3A_173], %add3A_169 {strides = array<i32>} : memref<2x128x32xf32, #tpu.memory_space<vmem>>, vector<16xf32>,
        %get3A_175 = arith.constant 1 : i32
        %get3A_176 = arith.index_cast %get3A_175 : i32 to index
        %get3A_177 = arith.index_cast %add3A_163 : i32 to index
        %get3A_178 = arith.constant 16 : index
        %get3A_179 = tpu.vector_load %arg7[%get3A_176, %get3A_177, %get3A_178] {strides = array<i32>} : memref<2x128x32xf32, #tpu.memory_space<vmem>>, vector<16xf32>,
        %add3A_180 = arith.addf %get3A_179, %get3A_100 : vector<16xf32>
        %swap3A_181 = arith.constant 1 : i32
        %swap3A_182 = arith.index_cast %swap3A_181 : i32 to index
        %swap3A_183 = arith.index_cast %add3A_163 : i32 to index
        %swap3A_184 = arith.constant 16 : index
        %swap3A_185 = tpu.vector_load %arg7[%swap3A_182, %swap3A_183, %swap3A_184] {strides = array<i32>} : memref<2x128x32xf32, #tpu.memory_space<vmem>>, vector<16xf32>,
        tpu.vector_store %arg7[%swap3A_182, %swap3A_183, %swap3A_184], %add3A_180 {strides = array<i32>} : memref<2x128x32xf32, #tpu.memory_space<vmem>>, vector<16xf32>,
        %mul3A_186 = arith.constant 4 : i32
        %mul3A_187 = arith.muli %scan3A_108, %mul3A_186 : i32
        %add3A_188 = arith.constant 3 : i32
        %add3A_189 = arith.addi %mul3A_187, %add3A_188 : i32
        %get3A_190 = arith.constant 1 : i32
        %get3A_191 = arith.index_cast %get3A_190 : i32 to index
        %get3A_192 = arith.index_cast %add3A_189 : i32 to index
        %get3A_193 = arith.constant 0 : index
        %get3A_194 = tpu.vector_load %arg7[%get3A_191, %get3A_192, %get3A_193] {strides = array<i32>} : memref<2x128x32xf32, #tpu.memory_space<vmem>>, vector<16xf32>,
        %add3A_195 = arith.addf %get3A_194, %get3A_97 : vector<16xf32>
        %swap3A_196 = arith.constant 1 : i32
        %swap3A_197 = arith.index_cast %swap3A_196 : i32 to index
        %swap3A_198 = arith.index_cast %add3A_189 : i32 to index
        %swap3A_199 = arith.constant 0 : index
        %swap3A_200 = tpu.vector_load %arg7[%swap3A_197, %swap3A_198, %swap3A_199] {strides = array<i32>} : memref<2x128x32xf32, #tpu.memory_space<vmem>>, vector<16xf32>,
        tpu.vector_store %arg7[%swap3A_197, %swap3A_198, %swap3A_199], %add3A_195 {strides = array<i32>} : memref<2x128x32xf32, #tpu.memory_space<vmem>>, vector<16xf32>,
        %get3A_201 = arith.constant 1 : i32
        %get3A_202 = arith.index_cast %get3A_201 : i32 to index
        %get3A_203 = arith.index_cast %add3A_189 : i32 to index
        %get3A_204 = arith.constant 16 : index
        %get3A_205 = tpu.vector_load %arg7[%get3A_202, %get3A_203, %get3A_204] {strides = array<i32>} : memref<2x128x32xf32, #tpu.memory_space<vmem>>, vector<16xf32>,
        %add3A_206 = arith.addf %get3A_205, %get3A_100 : vector<16xf32>
        %swap3A_207 = arith.constant 1 : i32
        %swap3A_208 = arith.index_cast %swap3A_207 : i32 to index
        %swap3A_209 = arith.index_cast %add3A_189 : i32 to index
        %swap3A_210 = arith.constant 16 : index
        %swap3A_211 = tpu.vector_load %arg7[%swap3A_208, %swap3A_209, %swap3A_210] {strides = array<i32>} : memref<2x128x32xf32, #tpu.memory_space<vmem>>, vector<16xf32>,
        tpu.vector_store %arg7[%swap3A_208, %swap3A_209, %swap3A_210], %add3A_206 {strides = array<i32>} : memref<2x128x32xf32, #tpu.memory_space<vmem>>, vector<16xf32>,
      }
      %scan3A_106 = arith.constant 32 : i32
      %run_scoped3A_107 = arith.constant 1 : i32
      "tpu.region"() ({
        %run_scoped3A_108 = tpu.sem_alloc : memref<!tpu.dma_semaphore, #tpu.memory_space<semaphore_mem>>
        %dma_start3A_109 = arith.constant 0 : i32
        %dma_start3A_110 = arith.constant 0 : i32
        %dma_start3A_111 = tpu.memref_slice %arg7[%run_scoped3A_107, %dma_start3A_109, %dma_start3A_110] : memref<2x128x32xf32, #tpu.memory_space<vmem>> -> memref<1x128x32xf32, #tpu.memory_space<vmem>>
        %dma_start3A_112 = tpu.memref_squeeze %dma_start3A_111 : memref<1x128x32xf32, #tpu.memory_space<vmem>> -> memref<128x32xf32, #tpu.memory_space<vmem>>
        %dma_start3A_113 = arith.constant 0 : i32
        %dma_start3A_114 = arith.constant 0 : i32
        %dma_start3A_115 = arith.constant 0 : i32
        %dma_start3A_116 = tpu.memref_slice %arg5[%add3A_83, %dma_start3A_113, %dma_start3A_114, %dma_start3A_115] : memref<200x32x128x32xf32, #tpu.memory_space<hbm>> -> memref<1x32x128x32xf32, #tpu.memory_space<hbm>>
        %dma_start3A_117 = tpu.memref_squeeze %dma_start3A_116 : memref<1x32x128x32xf32, #tpu.memory_space<hbm>> -> memref<32x128x32xf32, #tpu.memory_space<hbm>>
        %dma_start3A_118 = arith.constant 0 : i32
        %dma_start3A_119 = arith.constant 0 : i32
        %dma_start3A_120 = tpu.memref_slice %dma_start3A_117[%add3A, %dma_start3A_118, %dma_start3A_119] : memref<32x128x32xf32, #tpu.memory_space<hbm>> -> memref<1x128x32xf32, #tpu.memory_space<hbm>>
        %dma_start3A_121 = tpu.memref_squeeze %dma_start3A_120 : memref<1x128x32xf32, #tpu.memory_space<hbm>> -> memref<128x32xf32, #tpu.memory_space<hbm>>
        %dma_start3A_122 = arith.constant 0 : i32
        %dma_start3A_123 = arith.constant 0 : i32
        %dma_start3A_124 = arith.constant 0 : i32
        %dma_start3A_125 = tpu.memref_slice %arg5[%add3A_83, %dma_start3A_122, %dma_start3A_123, %dma_start3A_124] : memref<200x32x128x32xf32, #tpu.memory_space<hbm>> -> memref<1x32x128x32xf32, #tpu.memory_space<hbm>>
        %dma_start3A_126 = tpu.memref_squeeze %dma_start3A_125 : memref<1x32x128x32xf32, #tpu.memory_space<hbm>> -> memref<32x128x32xf32, #tpu.memory_space<hbm>>
        %dma_start3A_127 = arith.constant 0 : i32
        %dma_start3A_128 = arith.constant 0 : i32
        %dma_start3A_129 = tpu.memref_slice %dma_start3A_126[%add3A, %dma_start3A_127, %dma_start3A_128] : memref<32x128x32xf32, #tpu.memory_space<hbm>> -> memref<1x128x32xf32, #tpu.memory_space<hbm>>
        %dma_start3A_130 = tpu.memref_squeeze %dma_start3A_129 : memref<1x128x32xf32, #tpu.memory_space<hbm>> -> memref<128x32xf32, #tpu.memory_space<hbm>>
        %dma_start3A_131 = arith.constant 0 : i32
        %dma_start3A_132 = arith.constant 0 : i32
        %dma_start3A_133 = tpu.memref_slice %arg7[%run_scoped3A_107, %dma_start3A_131, %dma_start3A_132] : memref<2x128x32xf32, #tpu.memory_space<vmem>> -> memref<1x128x32xf32, #tpu.memory_space<vmem>>
        %dma_start3A_134 = tpu.memref_squeeze %dma_start3A_133 : memref<1x128x32xf32, #tpu.memory_space<vmem>> -> memref<128x32xf32, #tpu.memory_space<vmem>>
        tpu.enqueue_dma source(%dma_start3A_134 : memref<128x32xf32, #tpu.memory_space<vmem>>) target(%dma_start3A_130 : memref<128x32xf32, #tpu.memory_space<hbm>>) target_semaphore(%run_scoped3A_108 : memref<!tpu.dma_semaphore, #tpu.memory_space<semaphore_mem>>)
        %dma_wait3A_135 = arith.constant 0 : i32
        %dma_wait3A_136 = arith.constant 0 : i32
        %dma_wait3A_137 = tpu.memref_slice %arg7[%run_scoped3A_107, %dma_wait3A_135, %dma_wait3A_136] : memref<2x128x32xf32, #tpu.memory_space<vmem>> -> memref<1x128x32xf32, #tpu.memory_space<vmem>>
        %dma_wait3A_138 = tpu.memref_squeeze %dma_wait3A_137 : memref<1x128x32xf32, #tpu.memory_space<vmem>> -> memref<128x32xf32, #tpu.memory_space<vmem>>
        %dma_wait3A_139 = arith.constant 0 : i32
        %dma_wait3A_140 = arith.constant 0 : i32
        %dma_wait3A_141 = arith.constant 0 : i32
        %dma_wait3A_142 = tpu.memref_slice %arg5[%add3A_83, %dma_wait3A_139, %dma_wait3A_140, %dma_wait3A_141] : memref<200x32x128x32xf32, #tpu.memory_space<hbm>> -> memref<1x32x128x32xf32, #tpu.memory_space<hbm>>
        %dma_wait3A_143 = tpu.memref_squeeze %dma_wait3A_142 : memref<1x32x128x32xf32, #tpu.memory_space<hbm>> -> memref<32x128x32xf32, #tpu.memory_space<hbm>>
        %dma_wait3A_144 = arith.constant 0 : i32
        %dma_wait3A_145 = arith.constant 0 : i32
        %dma_wait3A_146 = tpu.memref_slice %dma_wait3A_143[%add3A, %dma_wait3A_144, %dma_wait3A_145] : memref<32x128x32xf32, #tpu.memory_space<hbm>> -> memref<1x128x32xf32, #tpu.memory_space<hbm>>
        %dma_wait3A_147 = tpu.memref_squeeze %dma_wait3A_146 : memref<1x128x32xf32, #tpu.memory_space<hbm>> -> memref<128x32xf32, #tpu.memory_space<hbm>>
        %dma_wait3A_148 = arith.constant 0 : i32
        %dma_wait3A_149 = arith.constant 0 : i32
        %dma_wait3A_150 = arith.constant 0 : i32
        %dma_wait3A_151 = tpu.memref_slice %arg5[%add3A_83, %dma_wait3A_148, %dma_wait3A_149, %dma_wait3A_150] : memref<200x32x128x32xf32, #tpu.memory_space<hbm>> -> memref<1x32x128x32xf32, #tpu.memory_space<hbm>>
        %dma_wait3A_152 = tpu.memref_squeeze %dma_wait3A_151 : memref<1x32x128x32xf32, #tpu.memory_space<hbm>> -> memref<32x128x32xf32, #tpu.memory_space<hbm>>
        %dma_wait3A_153 = arith.constant 0 : i32
        %dma_wait3A_154 = arith.constant 0 : i32
        %dma_wait3A_155 = tpu.memref_slice %dma_wait3A_152[%add3A, %dma_wait3A_153, %dma_wait3A_154] : memref<32x128x32xf32, #tpu.memory_space<hbm>> -> memref<1x128x32xf32, #tpu.memory_space<hbm>>
        %dma_wait3A_156 = tpu.memref_squeeze %dma_wait3A_155 : memref<1x128x32xf32, #tpu.memory_space<hbm>> -> memref<128x32xf32, #tpu.memory_space<hbm>>
        %dma_wait3A_157 = arith.constant 0 : i32
        %dma_wait3A_158 = arith.constant 0 : i32
        %dma_wait3A_159 = tpu.memref_slice %arg7[%run_scoped3A_107, %dma_wait3A_157, %dma_wait3A_158] : memref<2x128x32xf32, #tpu.memory_space<vmem>> -> memref<1x128x32xf32, #tpu.memory_space<vmem>>
        %dma_wait3A_160 = tpu.memref_squeeze %dma_wait3A_159 : memref<1x128x32xf32, #tpu.memory_space<vmem>> -> memref<128x32xf32, #tpu.memory_space<vmem>>
        tpu.wait_dma2 semaphore(%run_scoped3A_108 : memref<!tpu.dma_semaphore, #tpu.memory_space<semaphore_mem>>) src(%dma_wait3A_160 : memref<128x32xf32, #tpu.memory_space<vmem>>) dst(%dma_wait3A_156 : memref<128x32xf32, #tpu.memory_space<hbm>>)
        tpu.yield
      }) : () -> ()
    }
    %scan3A_18 = arith.constant 100 : i32
    %dma_wait3A = arith.constant 199 : i32
    %dma_wait3A_19 = arith.constant 0 : i32
    %dma_wait3A_20 = arith.constant 0 : i32
    %dma_wait3A_21 = arith.constant 0 : i32
    %dma_wait3A_22 = tpu.memref_slice %arg7[%dma_wait3A_19, %dma_wait3A_20, %dma_wait3A_21] : memref<2x128x32xf32, #tpu.memory_space<vmem>> -> memref<1x128x32xf32, #tpu.memory_space<vmem>>
    %dma_wait3A_23 = tpu.memref_squeeze %dma_wait3A_22 : memref<1x128x32xf32, #tpu.memory_space<vmem>> -> memref<128x32xf32, #tpu.memory_space<vmem>>
    %dma_wait3A_24 = arith.constant 0 : i32
    %dma_wait3A_25 = tpu.memref_slice %arg6[%dma_wait3A, %dma_wait3A_24] : memref<200x128xi32, #tpu.memory_space<vmem>> -> memref<1x128xi32, #tpu.memory_space<vmem>>
    %dma_wait3A_26 = tpu.memref_squeeze %dma_wait3A_25 : memref<1x128xi32, #tpu.memory_space<vmem>> -> memref<128xi32, #tpu.memory_space<vmem>>
    %dma_wait3A_27 = arith.constant 0 : i32
    %dma_wait3A_28 = arith.constant 0 : i32
    %dma_wait3A_29 = tpu.memref_slice %arg3[%dma_wait3A_27, %dma_wait3A_28] : memref<1000000x32xf32, #tpu.memory_space<hbm>> -> memref<1000000x32xf32, #tpu.memory_space<hbm>>
    tpu.wait_indirect_dma semaphore(%arg9 : memref<!tpu.dma_semaphore, #tpu.memory_space<semaphore_mem>>) src(%dma_wait3A_29 : memref<1000000x32xf32, #tpu.memory_space<hbm>>) dst(%dma_wait3A_23 : memref<128x32xf32, #tpu.memory_space<vmem>>)
    return
  }
}

</mosaic_0001>

<sc_bundles>
// kernel: _run.3.cloned.1.call-start
scs
__scs_entry_jumppad:
0x0: {  	(pc) =	sbr.rel $0x88, $3  }
0x1: {  	(tag) =	ssettag $0x0;
	lr =	simm.s32 $0x1  }
0x2: {  	[smem:$0x3F9E] =	sst lr;
	_ =	strace $0xD0000000  }
0x3: {  	_ = 	snop  }
0x4: {  	_ = 	snop  }
0x5: {  	_ = 	snop  }
0x6: {  	_ = 	snop  }
0x7: {  	_ = 	snop  }
__scs_overlays_trampoline_lowered:
0x8: {  	[smem:$0x3FAD] =	sst s0  }
0x9: {  	[smem:$0x3FAE] =	sst s1  }
0xa: {  	[smem:$0x3FAF] =	sst s2  }
0xb: {  	[smem:$0x3FB0] =	sst s3  }
0xc: {  	[smem:$0x3FB1] =	sst s4  }
0xd: {  	[smem:$0x3FB2] =	sst s5  }
0xe: {  	[smem:$0x3FB3] =	sst s6  }
0xf: {  	[smem:$0x3FB4] =	sst s7  }
0x10: {  	[smem:$0x3FB5] =	sst s8  }
0x11: {  	[smem:$0x3FB6] =	sst s9;
	s0 =	simm.s32 @!p0 $0x0  }
0x12: {  	s1 =	sld [smem:$0x3F9C];
	s0 =	simm.s32 @p0 $0x1  }
0x13: {  	[smem:$0x3FB7] =	sst s0;
	s0 =	simm.s32 @!p1 $0x0  }
0x14: {  	s2 =	sld [smem:$0x3F9B];
	s0 =	simm.s32 @p1 $0x1  }
0x15: {  	[smem:$0x3FB8] =	sst s0;
	s0 =	simm.s32 @!p2 $0x0  }
0x16: {  	s3 =	sld [smem:$0x3FDB];
	s0 =	simm.s32 @p2 $0x1  }
0x17: {  	s4 =	simm.s32 $0x1BF5;
	[smem:$0x3FBA] =	sst s0  }
0x18: {  	s0 =	sld [smem:$0x3F9D];
	_ =	swait.ge [sflag:s4], $0x0  }
0x19: {  	s7 =	sld [smem:$0x3F9E]  }
0x1a: {  	s8 =	sadd.s32 $0xFFFFE003, lr  }
0x1b: {  	s9 =	sadd.s32 $0xFFFFFEF7, lr;
	s5 =	simm.s32 $0xFFFFFFFF;
	p2 =	slt.u32 s8, $0xFFFFF086  }
0x1c: {  	p1 =	slt.u32 s9, $0xF7A;
	s5 =	simm.s32 @!p2 $0x0  }
0x1d: {  	s5 =	simm.s32 @p1 $0x1;
	p0 =	seq.s32 s7, s2  }
0x1e: {  	s7 =	smul.u32 @!p0 $0xF7A, s2;
	p2 =	seq.s32 @!p0 s5, $0x0  }
0x1f: {  	s9 =	smul.u32 $0xF7A, s1;
	s8 =	simm.s32 @!p0 $0x1BF5;
	p2 =	por !p2, p0  }
0x20: {  	[sflag:s8] =	ssyncset.s32 @!p0 $0xFFFFF086;
	s6 =	sadd.s32 @!p0 s3, s7;
	s7 =	simm.s32 @!p0 $0x108  }
0x21: {  	s3 =	sadd.s32 s3, s9;
	s6 =	sadd.s32 @!p0 $0x88, s6;
	s7 =	simm.s32 @p2 $0x1082  }
0x22: {  	[simem:s7], [sflag:s8] =	dma.local @!p0 [hbm:s6], $0xF7A  }
0x23: {  	s9 =	sor.u32 $0xD0000000, s2;
	s6 =	simm.s32 $0x108;
	_ =	swait.ge @!p0 [sflag:s8], $0x0  }
0x24: {  	s3 =	sadd.s32 $0x88, s3;
	s6 =	simm.s32 @!p1 $0x1082;
	[sflag:s4] =	ssyncset.s32 $0xFFFFF086  }
0x25: {  	[simem:s6], [sflag:s4] =	dma.local [hbm:s3], $0xF7A  }
0x26: {  	[smem:$0x3F9E] =	sst s1;
	(tag) =	ssettag s2;
	_ =	strace s9  }
0x27: {  	s1 =	sld [smem:$0x3FAE]  }
0x28: {  	s2 =	sld [smem:$0x3FAF]  }
0x29: {  	s4 =	sld [smem:$0x3FB1]  }
0x2a: {  	p0 =	seq.s32 s5, $0x0;
	s5 =	sld [smem:$0x3FB2]  }
0x2b: {  	s6 =	sld [smem:$0x3FB3]  }
0x2c: {  	s7 =	sld [smem:$0x3FB4]  }
0x2d: {  	s3 =	simm.s32 $0x108;
	s8 =	sld [smem:$0x3FB5]  }
0x2e: {  	s3 =	simm.s32 @!p0 $0x1082;
	s9 =	sld [smem:$0x3FB6]  }
0x2f: {  	lr =	sadd.s32 s0, s3;
	s0 =	sld [smem:$0x3FAD]  }
0x30: {  	s3 =	sld [smem:$0x3FB0]  }
0x31: {  	[smem:$0x3FB9] =	sst s10  }
0x32: {  	s10 =	sld [smem:$0x3FB7];
	_ =	sdelay $0x3  }
0x33: {  	p0 =	seq.s32 s10, $0x1;
	s10 =	sld [smem:$0x3FB9];
	_ =	sdelay $0x3  }
0x34: {  	[smem:$0x3FB9] =	sst s10  }
0x35: {  	s10 =	sld [smem:$0x3FB8];
	_ =	sdelay $0x3  }
0x36: {  	p1 =	seq.s32 s10, $0x1;
	s10 =	sld [smem:$0x3FB9];
	_ =	sdelay $0x3  }
0x37: {  	[smem:$0x3FB9] =	sst s10  }
0x38: {  	s10 =	sld [smem:$0x3FBA]  }
0x39: {  	_ = 	snop;
	(pc) =	sbr.ind lr, $3  }
0x3a: {  	_ = 	snop  }
0x3b: {  	_ = 	snop  }
0x3c: {  	p2 =	seq.s32 s10, $0x1;
	s10 =	sld [smem:$0x3FB9]  }
0x3d: {  	_ =	shalt  }
0x3e: {  	_ =	shalt  }
0x3f: {  	_ =	shalt  }
0x40: {  	_ =	shalt  }
0x41: {  	_ =	shalt  }
0x42: {  	_ =	shalt  }
0x43: {  	_ =	shalt  }
0x44: {  	_ =	shalt  }
0x45: {  	_ =	shalt  }
0x46: {  	_ =	shalt  }
0x47: {  	_ =	shalt  }
0x48: {  	_ =	shalt  }
0x49: {  	_ =	shalt  }
0x4a: {  	_ =	shalt  }
0x4b: {  	_ =	shalt  }
0x4c: {  	_ =	shalt  }
0x4d: {  	_ =	shalt  }
0x4e: {  	_ =	shalt  }
0x4f: {  	_ =	shalt  }
0x50: {  	_ =	shalt  }
0x51: {  	_ =	shalt  }
0x52: {  	_ =	shalt  }
0x53: {  	_ =	shalt  }
0x54: {  	_ =	shalt  }
0x55: {  	_ =	shalt  }
0x56: {  	_ =	shalt  }
0x57: {  	_ =	shalt  }
0x58: {  	_ =	shalt  }
0x59: {  	_ =	shalt  }
0x5a: {  	_ =	shalt  }
0x5b: {  	_ =	shalt  }
0x5c: {  	_ =	shalt  }
0x5d: {  	_ =	shalt  }
0x5e: {  	_ =	shalt  }
0x5f: {  	_ =	shalt  }
0x60: {  	_ =	shalt  }
0x61: {  	_ =	shalt  }
0x62: {  	_ =	shalt  }
0x63: {  	_ =	shalt  }
0x64: {  	_ =	shalt  }
0x65: {  	_ =	shalt  }
0x66: {  	_ =	shalt  }
0x67: {  	_ =	shalt  }
0x68: {  	_ =	shalt  }
0x69: {  	_ =	shalt  }
0x6a: {  	_ =	shalt  }
0x6b: {  	_ =	shalt  }
0x6c: {  	_ =	shalt  }
0x6d: {  	_ =	shalt  }
0x6e: {  	_ =	shalt  }
0x6f: {  	_ =	shalt  }
0x70: {  	_ =	shalt  }
0x71: {  	_ =	shalt  }
0x72: {  	_ =	shalt  }
0x73: {  	_ =	shalt  }
0x74: {  	_ =	shalt  }
0x75: {  	_ =	shalt  }
0x76: {  	_ =	shalt  }
0x77: {  	_ =	shalt  }
0x78: {  	_ =	shalt  }
0x79: {  	_ =	shalt  }
0x7a: {  	_ =	shalt  }
0x7b: {  	_ =	shalt  }
0x7c: {  	_ =	shalt  }
0x7d: {  	_ =	shalt  }
0x7e: {  	_ =	shalt  }
0x7f: {  	_ =	shalt  }
0x80: {  	_ =	shalt  }
0x81: {  	_ =	shalt  }
0x82: {  	_ =	shalt  }
0x83: {  	_ =	shalt  }
0x84: {  	_ =	shalt  }
0x85: {  	_ =	shalt  }
0x86: {  	_ =	shalt  }
0x87: {  	_ =	shalt  }
.Lfunc_end0:
.L_simem_size_0:
called_computation.1_lowered:
.L_overlay_start_0:
0x88: {  	s2 =	sld [smem:$0x3FD9]  }
0x89: {  	s3 =	sld [smem:$0x3FFE];
	_ =	sdelay $0x1  }
0x8a: {  	s1 =	srdreg.scid  }
0x8b: {  	s0 =	sand.u32 $0x1, s1  }
0x8c: {  	s17 =	sshll.u32 s0, $0xA;
	s2 =	sadd.s32 s3, s2  }
0x8d: {  	s2 =	sadd.s32 s2, s17  }
0x8e: {  	[smem:$0x3FC5] =	sst s2  }
0x8f: {  	_ = 	snop  }
0x90: {  	s2 =	sld [smem:$0x3FD0];
	(tm) =	ssettm $0x1  }
0x91: {  	s18 =	sld [smem:$0x3FFB];
	_ =	sdelay $0x3  }
0x92: {  	_ =	strace s18  }
0x93: {  	s3 =	sld [smem:$0x3FFC];
	_ =	sdelay $0x3  }
0x94: {  	_ =	strace s3  }
0x95: {  	s3 =	sld [smem:$0x3FFD];
	_ =	sdelay $0x3  }
0x96: {  	_ =	strace s3  }
0x97: {  	_ =	strace $0x8FFFFFFF  }
0x98: {  	s19 =	sld [smem:$0x3FDB];
	_ =	sdelay $0x1  }
0x99: {  	s4 =	simm.s32 $_scs_section_size  }
0x9a: {  	s5 =	simm.s32 $_size__tile_overlayer_lowered;
	s6 =	simm.s32 $_tile_overlayer_lowered  }
0x9b: {  	s22 =	simm.s32 $0x1BFF;
	s21 =	sshll.u32 s6, $0x1;
	s3 =	sadd.s32 s4, s19  }
0x9c: {  	s7 =	simm.s32 $0x0;
	s20 =	sshll.u32 s5, $0x1;
	s5 =	sadd.s32 s21, s3  }
0x9d: {  	[timem:s7], [sflag:s22] =	dma.local [hbm:s5], s20  }
0x9e: {  	_ =	swait.ge [sflag:s22], s20  }
0x9f: {  	s4 =	ssub.s32 $0x0, s20;
	[sflag:s22] =	ssyncset.done $0x0  }
0xa0: {  	[sflag:s22] =	ssyncadd.s32 s4;
	_ =	sdelay $0x1  }
0xa1: {  	s23 =	simm.s32 $0x1B8B  }
0xa2: {  	_ =	swait.ge [sflag:s23], $0x1  }
0xa3: {  	[sflag:s23] =	ssyncset.done $0x0  }
0xa4: {  	s25 =	simm.s32 $0x1B8E;
	s24 =	sld [smem:$0x3FFE];
	[sflag:s23] =	ssyncadd.s32 $0xFFFFFFFF  }
0xa5: {  	s26 =	simm.s32 $execute0_lowered;
	[smem:$0x3FD2] =	sst s25  }
0xa6: {  	s5 =	sshll.u32 s26, $0x1;
	_ =	strace $0x80000046;
	[dreg:$0x1] =	wrdreg $0xFFFFFFFF  }
0xa7: {  	s28 =	simm.s32 $_size_execute0_lowered;
	s3 =	sadd.s32 s3, s5;
	[dreg:$0x0] =	wrdreg $0x0  }
0xa8: {  	s5 =	sshll.u32 s28, $0x1;
	[dreg:$0x2] =	wrdreg s3  }
0xa9: {  	[dreg:$0x3] =	wrdreg s5  }
0xaa: {  	[dreg:$0x4] =	wrdreg $0xC0  }
0xab: {  	_ =	task [dreg:s7], $0x5FFFF  }
0xac: {  	[dreg:$0x1] =	wrdreg $0xFFFFFFFF  }
0xad: {  	[dreg:$0x0] =	wrdreg $0x60  }
0xae: {  	[dreg:$0x2] =	wrdreg s24  }
0xaf: {  	[dreg:$0x3] =	wrdreg s2  }
0xb0: {  	[dreg:$0x4] =	wrdreg $0x9  }
0xb1: {  	_ =	task.clear_ibuf [dreg:s7], $0x5FFFF;
	_ =	strace $0x90000046  }
0xb2: {  	s29 =	simm.s32 $0x9;
	_ =	strace $0x80000048  }
0xb3: {  	_ =	swait.ge [sflag:s29], $0x1  }
0xb4: {  	[sflag:s29] =	ssyncadd.s32 $0xFFFFFFFF  }
0xb5: {  	_ =	strace $0x90000048  }
0xb6: {  	_ =	sfence  }
0xb7: {  	s30 =	sld [smem:$0x0];
	_ =	sdelay $0x2  }
0xb8: {  	s31 =	sshll.u32 s1, $0xD;
	s1 =	sshrl.u32 s1, $0x2  }
0xb9: {  	s3 =	sand.u32 $0x4000, s31;
	s1 =	sadd.s32 s1, s30  }
0xba: {  	s0 =	sor.u32 s3, s0;
	s1 =	sshll.u32 s1, $0x11  }
0xbb: {  	s0 =	sor.u32 s1, s0  }
0xbc: {  	s0 =	sadd.s32 $0x8F2B, s0  }
0xbd: {  	[sflag:s0] =	ssyncadd.remote.s32 $0x1  }
0xbe: {  	_ =	sfence.sel $0xFFFF  }
0xbf: {  	[dreg:$0x0] =	wrdreg $0xFFFFFFFF;
	(pc) =	sbr.abs _section_cstart, $3  }
0xc0: {  	[dreg:$0x1] =	wrdreg $0xFFFFFFFF  }
0xc1: {  	_ =	task.clear_ibuf [dreg:s7], $0x2FFFF;
	_ =	strace $0x9FFFFFFF  }
0xc2: {  	(tm) =	ssettm $0x7FFFFFFF  }
0xc3: {  	_ =	shalt  }
tec
execute0_lowered:
.L_overlay_start_1:
0x0: {  	(tag) =	ssettag $0x1  }
0x1: {  	s5 =	rddreg [dreg:$0x0]  }
0x2: {  	s1 =	srdreg.scid;
	s0 =	stileid.u32  }
0x3: {  	s2 =	rddreg [dreg:$0x1];
	s3 =	simm.s32 $0x0;
	s10 =	simm.s32 $0x1000  }
0x4: {  	s11 =	simm.s32 $0x3;
	s12 =	simm.s32 $0x8400;
	s13 =	simm.s32 $0x6400  }
0x5: {  	s14 =	simm.s32 $0x7400;
	s15 =	simm.s32 $0x1;
	s16 =	simm.s32 $0x2  }
0x6: {  	s4 =	sand.u32 $0x1, s1;
	s6 =	sshll.u32 s0, $0x1;
	s1 =	rddreg [dreg:$0x2]  }
0x7: {  	s17 =	simm.s32 $0x0;
	[smem:$0x7FF] =	sst s3;
	s7 =	sor.u32 s4, s6  }
0x8: {  	s8 =	ssub.s32 $0x2, s4;
	_ =	strace $0x80000047;
	s4 =	sadd.s32 $0xF43000, s5  }
0x9: {  	s6 =	sshll.u32 s7, $0x4;
	s9 =	sshrl.u32 s8, $0x1;
	s7 =	sshll.u32 s7, $0x9  }
0xa: {  	s6 =	sadd.s32 s6, s5;
	s5 =	sadd.s32 $0x19C00, s5;
	s8 =	ssub.s32 s8, s9  }
0xb: {  	s9 =	simm.s32 $0x80;
	s6 =	sadd.s32 $0xC00, s6;
	s8 =	smax.u32 s8, $0x1  }
.LBB2_1:
0xc: {  	[tilespmem:s3], [sflag:$0x3] =	stream.strided.gather [hbm4b:s6+s9], $0x6400, s10, s9, $0x38;
	[tilespmem:$0x9D00] =	vst v63  }
0xd: {  	_ =	swait.ge [sflag:s11], $0x6400  }
0xe: {  	[sflag:s11] =	ssyncset.done $0x0  }
0xf: {  	[sflag:s11] =	ssyncadd.s32 $0xFFFF9C00  }
0x10: {  	[tilespmem:s12], [sflag:$0x3] =	stream.linear.gather [hbm4b:s5+s3], $0x1900, $0x38;
	[tilespmem:$0x9D00] =	vst v63  }
0x11: {  	_ =	swait.ge [sflag:s11], $0x1900  }
0x12: {  	[sflag:s11] =	ssyncset.done $0x0  }
0x13: {  	s18 =	simm.s32 $0x0;
	[sflag:s11] =	ssyncadd.s32 $0xFFFFE700  }
0x14: {  	[tilespmem:s13], [sflag:$0x1] =	stream.indirect.gather [hbm4b:s4+s9], $0x20, s3, s9, $0xb8;
	[tilespmem:$0x9D00] =	vst v63  }
.LBB2_2:
0x15: {  	s19 =	sshllo.u32 s18, $0x1  }
0x16: {  	s20 =	sshll.u32 s19, $0x7  }
0x17: {  	s20 =	sand.u32 $0x3FFFFF80, s20  }
0x18: {  	[tilespmem:s14], [sflag:$0x2] =	stream.indirect.gather [hbm4b:s4+s9], $0x20, s20, s9, $0xb8;
	[tilespmem:$0x9D00] =	vst v63  }
0x19: {  	_ =	swait.ge [sflag:s15], $0x1000  }
0x1a: {  	s31 =	sshll.u32 s18, $0x6;
	[sflag:s15] =	ssyncset.done $0x0  }
0x1b: {  	s20 =	sand.u32 $0x3FFFFFC0, s31;
	[sflag:s15] =	ssyncadd.s32 $0xFFFFF000  }
0x1c: {  	v1 =	vld [tilespmem:s20+$0x8400]  }
0x1d: {  	v0 =	vld [tilespmem:s20+$0x8410];
	s20 =	simm.s32 $0x0  }
0x1e: {  	v5 =	vld [tilespmem:s20+$0x6400]  }
0x1f: {  	v7 =	vld [tilespmem:s20+$0x6410]  }
0x20: {  	v6 =	vld [tilespmem:s20+$0x6420]  }
0x21: {  	v4 =	vld [tilespmem:s20+$0x6430]  }
0x22: {  	v2 =	vld [tilespmem:s20+$0x6440]  }
0x23: {  	v3 =	vld [tilespmem:s20+$0x6450];
	v8 =	vadd.f32 v5, v1  }
0x24: {  	s21 =	sshll.u32 s18, $0x1;
	s22 =	simm.s32 $0x200;
	v7 =	vadd.f32 v7, v0;
	v5 =	vld [tilespmem:s20+$0x6460]  }
.LBB2_3:
0x25: {  	s23 =	sshra.s32 s22, $0x2;
	p0 =	sne.s32 s22, $0x3E00;
	[tilespmem:s20+$0x6400] =	vst v8;
	v6 =	vadd.f32 v6, v1;
	v8 =	vld [tilespmem:s20+$0x6470]  }
0x26: {  	v9 =	vld [tilespmem:s23+$0x6400];
	[tilespmem:s20+$0x6410] =	vst v7;
	v4 =	vadd.f32 v4, v0  }
0x27: {  	v7 =	vld [tilespmem:s23+$0x6410];
	[tilespmem:s20+$0x6420] =	vst v6;
	v2 =	vadd.f32 v2, v1  }
.Ltmp0:
0x28: {  	v6 =	vld [tilespmem:s23+$0x6420];
	[tilespmem:s20+$0x6430] =	vst v4;
	v3 =	vadd.f32 v3, v0;
	(pc) =	sbr.rel @p0 .LBB2_3-.Ltmp0, $4  }
0x29: {  	v4 =	vld [tilespmem:s23+$0x6430];
	[tilespmem:s20+$0x6440] =	vst v2;
	v5 =	vadd.f32 v5, v1  }
0x2a: {  	v2 =	vld [tilespmem:s23+$0x6440];
	[tilespmem:s20+$0x6450] =	vst v3;
	v10 =	vadd.f32 v8, v0  }
0x2b: {  	v8 =	vadd.f32 v9, v1;
	v3 =	vld [tilespmem:s23+$0x6450];
	[tilespmem:s20+$0x6460] =	vst v5  }
0x2c: {  	s22 =	sadd.s32 $0x200, s22;
	v7 =	vadd.f32 v7, v0;
	v5 =	vld [tilespmem:s23+$0x6460];
	[tilespmem:s20+$0x6470] =	vst v10;
	s20 =	smov.u32 s23  }
0x2d: {  	[tilespmem:s20+$0x6400] =	vst v8;
	v6 =	vadd.f32 v6, v1;
	v8 =	vld [tilespmem:s20+$0x6470]  }
0x2e: {  	[tilespmem:s20+$0x6410] =	vst v7;
	v4 =	vadd.f32 v4, v0  }
0x2f: {  	[tilespmem:s20+$0x6420] =	vst v6;
	v2 =	vadd.f32 v2, v1  }
0x30: {  	[tilespmem:s20+$0x6430] =	vst v4;
	v3 =	vadd.f32 v3, v0  }
0x31: {  	[tilespmem:s20+$0x6440] =	vst v2;
	v1 =	vadd.f32 v5, v1  }
0x32: {  	s22 =	sshll.u32 s18, $0xF;
	[tilespmem:s20+$0x6450] =	vst v3;
	v0 =	vadd.f32 v8, v0  }
0x33: {  	s22 =	sadd.s32 s2, s22;
	[tilespmem:s20+$0x6460] =	vst v1  }
0x34: {  	s29 =	simm.s32 $0x0;
	s28 =	sadd.s32 s7, s22;
	[tilespmem:s20+$0x6470] =	vst v0  }
0x35: {  	[hbm4b:s28+s29] =	stream.linear.scatter [tilespmem:s13], [sflag:$0x3], $0x1000, $0x38;
	[tilespmem:$0x9D00] =	vst v63  }
0x36: {  	s30 =	smin.u32 s21, $0xC5;
	_ =	swait.ge [sflag:s11], $0x1000  }
0x37: {  	s20 =	sshll.u32 s30, $0x7;
	[sflag:s11] =	ssyncset.done $0x0  }
0x38: {  	s20 =	sadd.s32 $0x100, s20;
	[sflag:s11] =	ssyncadd.s32 $0xFFFFF000  }
0x39: {  	[tilespmem:s13], [sflag:$0x1] =	stream.indirect.gather [hbm4b:s4+s9], $0x20, s20, s9, $0xb8;
	[tilespmem:$0x9D00] =	vst v63  }
0x3a: {  	_ =	swait.ge [sflag:s16], $0x1000  }
0x3b: {  	s31 =	sshll.u32 s19, $0x5;
	[sflag:s16] =	ssyncset.done $0x0  }
0x3c: {  	s20 =	sand.u32 $0x3FFFFFE0, s31;
	[sflag:s16] =	ssyncadd.s32 $0xFFFFF000  }
0x3d: {  	v1 =	vld [tilespmem:s20+$0x8400]  }
0x3e: {  	v0 =	vld [tilespmem:s20+$0x8410];
	s20 =	simm.s32 $0x0  }
0x3f: {  	v5 =	vld [tilespmem:s20+$0x7400]  }
0x40: {  	v7 =	vld [tilespmem:s20+$0x7410]  }
0x41: {  	v6 =	vld [tilespmem:s20+$0x7420]  }
0x42: {  	v4 =	vld [tilespmem:s20+$0x7430]  }
0x43: {  	v2 =	vld [tilespmem:s20+$0x7440]  }
0x44: {  	v3 =	vld [tilespmem:s20+$0x7450];
	v8 =	vadd.f32 v5, v1  }
0x45: {  	s21 =	simm.s32 $0x200;
	v7 =	vadd.f32 v7, v0;
	v5 =	vld [tilespmem:s20+$0x7460]  }
.LBB2_5:
0x46: {  	s22 =	sshra.s32 s21, $0x2;
	p0 =	sne.s32 s21, $0x3E00;
	[tilespmem:s20+$0x7400] =	vst v8;
	v6 =	vadd.f32 v6, v1;
	v8 =	vld [tilespmem:s20+$0x7470]  }
0x47: {  	v9 =	vld [tilespmem:s22+$0x7400];
	[tilespmem:s20+$0x7410] =	vst v7;
	v4 =	vadd.f32 v4, v0  }
0x48: {  	v7 =	vld [tilespmem:s22+$0x7410];
	[tilespmem:s20+$0x7420] =	vst v6;
	v2 =	vadd.f32 v2, v1  }
.Ltmp1:
0x49: {  	v6 =	vld [tilespmem:s22+$0x7420];
	[tilespmem:s20+$0x7430] =	vst v4;
	v3 =	vadd.f32 v3, v0;
	(pc) =	sbr.rel @p0 .LBB2_5-.Ltmp1, $4  }
0x4a: {  	v4 =	vld [tilespmem:s22+$0x7430];
	[tilespmem:s20+$0x7440] =	vst v2;
	v5 =	vadd.f32 v5, v1  }
0x4b: {  	v2 =	vld [tilespmem:s22+$0x7440];
	[tilespmem:s20+$0x7450] =	vst v3;
	v10 =	vadd.f32 v8, v0  }
0x4c: {  	v8 =	vadd.f32 v9, v1;
	v3 =	vld [tilespmem:s22+$0x7450];
	[tilespmem:s20+$0x7460] =	vst v5  }
0x4d: {  	s21 =	sadd.s32 $0x200, s21;
	v7 =	vadd.f32 v7, v0;
	v5 =	vld [tilespmem:s22+$0x7460];
	[tilespmem:s20+$0x7470] =	vst v10;
	s20 =	smov.u32 s22  }
0x4e: {  	[tilespmem:s20+$0x7400] =	vst v8;
	v6 =	vadd.f32 v6, v1;
	v61 =	vld [tilespmem:s20+$0x7470]  }
0x4f: {  	[tilespmem:s20+$0x7410] =	vst v7;
	v4 =	vadd.f32 v4, v0  }
0x50: {  	[tilespmem:s20+$0x7420] =	vst v6;
	v2 =	vadd.f32 v2, v1  }
0x51: {  	[tilespmem:s20+$0x7430] =	vst v4;
	v3 =	vadd.f32 v3, v0  }
0x52: {  	[tilespmem:s20+$0x7440] =	vst v2;
	v62 =	vadd.f32 v5, v1  }
0x53: {  	s19 =	sshll.u32 s19, $0xE;
	s18 =	sadd.s32 $0x1, s18;
	[tilespmem:s20+$0x7450] =	vst v3;
	v63 =	vadd.f32 v61, v0  }
0x54: {  	s19 =	sadd.s32 s2, s19;
	p0 =	sne.s32 s18, $0x64;
	[tilespmem:s20+$0x7460] =	vst v62  }
.Ltmp2:
0x55: {  	s19 =	sadd.s32 s7, s19;
	[tilespmem:s20+$0x7470] =	vst v63;
	(pc) =	sbr.rel @p0 .LBB2_2-.Ltmp2, $4  }
0x56: {  	[hbm4b:s19+s3] =	stream.linear.scatter [tilespmem:s14], [sflag:$0x3], $0x1000, $0x38;
	[tilespmem:$0x9D00] =	vst v63  }
0x57: {  	_ =	swait.ge [sflag:s11], $0x1000  }
0x58: {  	[sflag:s11] =	ssyncset.done $0x0  }
0x59: {  	[sflag:s11] =	ssyncadd.s32 $0xFFFFF000  }
0x5a: {  	s17 =	sadd.s32 $0x1, s17  }
0x5b: {  	p0 =	sne.s32 s17, s8  }
.Ltmp3:
0x5c: {  	_ = 	snop;
	(pc) =	sbr.rel @p0 .LBB2_1-.Ltmp3, $4  }
0x5d: {  	_ = 	snop  }
0x5e: {  	_ =	swait.ge [sflag:s15], $0x1000  }
0x5f: {  	[sflag:s15] =	ssyncset.done $0x0  }
0x60: {  	[sflag:s15] =	ssyncadd.s32 $0xFFFFF000  }
0x61: {  	_ =	sfence.sel $0x180000  }
0x62: {  	[bflag:$0x0] =	sbarrier.arrive $0xFFFF  }
0x63: {  	p0 =	sne.s32 s0, $0x0;
	_ =	strace $0x90000047  }
0x64: {  	s0 =	sadd.s32 @!p0 $0x100000, s1;
	[bflag:$0x2] =	sbarrier.arrive $0xFFFF  }
0x65: {  	[sflag:s0] =	ssyncadd.tile.s32 @!p0 $0x1;
	_ =	shalt  }
.Lfunc_end2:
_tile_overlayer_lowered:
.L_overlay_start_2:
0x66: {  	(tag) =	ssettag $0x2  }
0x67: {  	s0 =	rddreg [dreg:$0x0];
	s2 =	stileid.u32  }
0x68: {  	s1 =	rddreg [dreg:$0x1];
	p0 =	sne.s32 s2, $0x0  }
0x69: {  	s3 =	rddreg [dreg:$0x2];
	[bflag:$0x3] =	sbarrier.arrive $0xFFFF;
	s2 =	simm.s32 @!p0 $0x1C03  }
0x6a: {  	[timem:s3], [sflag:s2] =	dma.local @!p0 [hbm:s0], s1  }
0x6b: {  	s0 =	simm.s32 @!p0 $0x3  }
0x6c: {  	_ =	swait.ge @!p0 [sflag:s0], s1  }
0x6d: {  	s1 =	ssub.s32 @!p0 $0x0, s1;
	[sflag:s0] =	ssyncset.done @!p0 $0x0  }
0x6e: {  	[sflag:s0] =	ssyncadd.s32 @!p0 s1  }
0x6f: {  	[bflag:$0x3] =	sbarrier.arrive $0xFFFF  }
0x70: {  	_ =	shalt  }

// kernel: sparse-core-data-format-call.cloned.1.call-start
scs
called_computation_lowered:
.L_overlay_start_0:
0x0: {  	s2 =	sld [smem:$0x3FD9]  }
0x1: {  	s3 =	sld [smem:$0x3FFE];
	_ =	sdelay $0x1  }
0x2: {  	s1 =	srdreg.scid  }
0x3: {  	s0 =	sand.u32 $0x1, s1  }
0x4: {  	s18 =	sshll.u32 s0, $0xA;
	s2 =	sadd.s32 s3, s2  }
0x5: {  	s2 =	sadd.s32 s2, s18  }
0x6: {  	[smem:$0x3FC5] =	sst s2  }
0x7: {  	_ = 	snop  }
0x8: {  	s2 =	sld [smem:$0x3FD0];
	(tm) =	ssettm $0x1  }
0x9: {  	s19 =	sld [smem:$0x3FFB];
	_ =	sdelay $0x3  }
0xa: {  	_ =	strace s19  }
0xb: {  	s3 =	sld [smem:$0x3FFC];
	_ =	sdelay $0x3  }
0xc: {  	_ =	strace s3  }
0xd: {  	s3 =	sld [smem:$0x3FFD];
	_ =	sdelay $0x3  }
0xe: {  	_ =	strace s3  }
0xf: {  	_ =	strace $0x8FFFFFFF  }
0x10: {  	s20 =	sld [smem:$0x3FDB];
	_ =	sdelay $0x1  }
0x11: {  	s4 =	simm.s32 $_scs_section_size  }
0x12: {  	s5 =	simm.s32 $_size__tile_overlayer_lowered;
	s6 =	simm.s32 $_tile_overlayer_lowered  }
0x13: {  	s23 =	simm.s32 $0x1BFF;
	s22 =	sshll.u32 s6, $0x1;
	s3 =	sadd.s32 s4, s20  }
0x14: {  	s7 =	simm.s32 $0x0;
	s21 =	sshll.u32 s5, $0x1;
	s5 =	sadd.s32 s22, s3  }
0x15: {  	[timem:s7], [sflag:s23] =	dma.local [hbm:s5], s21  }
0x16: {  	_ =	swait.ge [sflag:s23], s21  }
0x17: {  	s4 =	ssub.s32 $0x0, s21;
	[sflag:s23] =	ssyncset.done $0x0  }
0x18: {  	[sflag:s23] =	ssyncadd.s32 s4;
	_ =	sdelay $0x1  }
0x19: {  	s24 =	simm.s32 $0x1B8B  }
0x1a: {  	_ =	swait.ge [sflag:s24], $0x1  }
0x1b: {  	[sflag:s24] =	ssyncset.done $0x0  }
0x1c: {  	s26 =	simm.s32 $0x1B8E;
	s25 =	sld [smem:$0x3FFE];
	[sflag:s24] =	ssyncadd.s32 $0xFFFFFFFF  }
0x1d: {  	s27 =	simm.s32 $execute0_lowered;
	[smem:$0x3FD2] =	sst s26  }
0x1e: {  	s5 =	sshll.u32 s27, $0x1;
	_ =	strace $0x80000049;
	[dreg:$0x1] =	wrdreg $0xFFFFFFFF  }
0x1f: {  	s28 =	simm.s32 $_size_execute0_lowered;
	s3 =	sadd.s32 s3, s5;
	[dreg:$0x0] =	wrdreg $0x0  }
0x20: {  	s5 =	sshll.u32 s28, $0x1;
	[dreg:$0x2] =	wrdreg s3  }
0x21: {  	[dreg:$0x3] =	wrdreg s5  }
0x22: {  	[dreg:$0x4] =	wrdreg $0xC0  }
0x23: {  	_ =	task [dreg:s7], $0x5FFFF  }
0x24: {  	[dreg:$0x1] =	wrdreg $0xFFFFFFFF  }
0x25: {  	[dreg:$0x0] =	wrdreg $0x60  }
0x26: {  	[dreg:$0x2] =	wrdreg s25  }
0x27: {  	[dreg:$0x3] =	wrdreg s2  }
0x28: {  	[dreg:$0x4] =	wrdreg $0x9  }
0x29: {  	_ =	task.clear_ibuf [dreg:s7], $0x5FFFF;
	_ =	strace $0x90000049  }
0x2a: {  	s29 =	simm.s32 $0x9;
	_ =	strace $0x8000004B  }
0x2b: {  	_ =	swait.ge [sflag:s29], $0x1  }
0x2c: {  	[sflag:s29] =	ssyncadd.s32 $0xFFFFFFFF  }
0x2d: {  	_ =	strace $0x9000004B  }
0x2e: {  	_ =	sfence  }
0x2f: {  	s30 =	sld [smem:$0x0];
	_ =	sdelay $0x2  }
0x30: {  	s31 =	sshll.u32 s1, $0xD;
	s1 =	sshrl.u32 s1, $0x2  }
0x31: {  	s3 =	sand.u32 $0x4000, s31;
	s1 =	sadd.s32 s1, s30  }
0x32: {  	s0 =	sor.u32 s3, s0;
	s1 =	sshll.u32 s1, $0x11  }
0x33: {  	s0 =	sor.u32 s1, s0  }
0x34: {  	s0 =	sadd.s32 $0x8F2B, s0  }
0x35: {  	[sflag:s0] =	ssyncadd.remote.s32 $0x1  }
0x36: {  	_ =	sfence.sel $0xFFFF  }
0x37: {  	[dreg:$0x0] =	wrdreg $0xFFFFFFFF;
	(pc) =	sbr.abs _section_cstart, $3  }
0x38: {  	[dreg:$0x1] =	wrdreg $0xFFFFFFFF  }
0x39: {  	_ =	task.clear_ibuf [dreg:s7], $0x2FFFF;
	_ =	strace $0x9FFFFFFF  }
0x3a: {  	(tm) =	ssettm $0x7FFFFFFF  }
0x3b: {  	_ =	shalt  }
tec
execute0_lowered:
.L_overlay_start_1:
0x0: {  	(tag) =	ssettag $0x1  }
0x1: {  	s1 =	srdreg.scid  }
0x2: {  	s0 =	stileid.u32;
	s4 =	rddreg [dreg:$0x0];
	s1 =	sshll.u32 s1, $0x4  }
0x3: {  	s3 =	rddreg [dreg:$0x1];
	s1 =	sor.u32 s0, s1  }
0x4: {  	s8 =	simm.s32 $0x2;
	s9 =	simm.s32 $0x0;
	s2 =	sand.u32 $0x1C, s1  }
0x5: {  	s13 =	simm.s32 $0x0;
	s12 =	simm.s32 $0x0;
	s5 =	ssub.s32 $0x20, s2  }
0x6: {  	s1 =	rddreg [dreg:$0x2];
	_ =	strace $0x8000004A;
	s6 =	sand.u32 $0x1C, s5  }
0x7: {  	s7 =	sshll.u32 s2, $0xB;
	p0 =	sne.s32 s6, $0x0;
	s6 =	simm.s32 $0x1  }
.Ltmp0:
0x8: {  	s5 =	sshrl.u32 s5, $0x5;
	s6 =	simm.s32 @!p0 $0x0;
	(pc) =	sbr.rel .LBB1_1-.Ltmp0, $4  }
0x9: {  	s7 =	sadd.s32 s7, s4;
	s4 =	simm.s32 $0x1;
	s5 =	sadd.s32 s6, s5  }
0xa: {  	s11 =	simm.s32 $0x0;
	[sflag:s4] =	ssyncpa.u1 $0x0;
	s5 =	smul.u32 $0x32, s5  }
0xb: {  	s7 =	sadd.s32 $0xC00, s7;
	[sflag:s8] =	ssyncpa.u1 $0x0;
	s6 =	sand.u32 $0x3, s0  }
0xc: {  	p0 =	por $0x0, $0x0;
	s10 =	smov.u32 s6;
	s8 =	sor.u32 $0x1, s5  }
.LBB1_7:
0xd: {  	s14 =	sadd.s32 $0x4, s10  }
0xe: {  	p2 =	sgt.s32 s14, $0xC7  }
0xf: {  	s14 =	smov.u32 @p2 s6;
	p2 =	sne.s32 s11, s8  }
.Ltmp1:
0x10: {  	p1 =	slt.u32 s11, $0x2;
	(pc) =	sbr.rel @!p2 .LBB1_8-.Ltmp1, $4  }
0x11: {  	s13 =	simm.s32 @!p1 $0x2  }
0x12: {  	s15 =	sadd.s32 $0x1, s11;
	s12 =	smov.u32 s10;
	_ =	swait.ge @!p1 [sflag:s13], $0x4000  }
0x13: {  	p0 =	por !p0, !p0;
	s11 =	smov.u32 s15;
	[sflag:s13] =	ssyncset.done @!p1 $0x0  }
0x14: {  	s10 =	smov.u32 s14;
	[sflag:s13] =	ssyncadd.s32 @!p1 $0xFFFFC000;
	s13 =	smov.u32 s2  }
.LBB1_1:
0x15: {  	p1 =	sge.u32 s11, s5  }
0x16: {  	s31 =	sadd.s32 $0xFFFFFFFF, s11;
	s14 =	sxor.u32 @!p1 $0xFFFFFFFF, s11  }
0x17: {  	s15 =	sshll.u32 @!p1 s10, $0x10;
	s16 =	simm.s32 @!p1 $0x20;
	s14 =	sshll.u32 @!p1 s14, $0xE  }
0x18: {  	s17 =	simm.s32 @!p1 $0x80;
	s15 =	sadd.s32 @!p1 s15, s7;
	s14 =	sand.u32 @!p1 $0x4000, s14  }
0x19: {  	[tilespmem:s14], [sflag:$0x1] =	stream.strided.gather @!p1 [hbm4b:s15+s16], $0x4000, s17, s16, $0x38;
	[tilespmem:$0x10100] =	vst v63  }
0x1a: {  	p1 =	sge.u32 s31, s5  }
.Ltmp2:
0x1b: {  	_ = 	snop;
	(pc) =	sbr.rel @p1 .LBB1_7-.Ltmp2, $1  }
0x1c: {  	_ =	sdelay $0x3  }
0x1d: {  	s15 =	simm.s32 $0x1;
	s16 =	sand.u32 $0x1, s11  }
0x1e: {  	_ =	swait.ge [sflag:s4], $0x4000;
	s15 =	simm.s32 @!p0 $0x0;
	s17 =	smul.u32 $0x10200, s16  }
0x1f: {  	[sflag:s4] =	ssyncset.done $0x0;
	s14 =	smul.u32 $0x10200, s15  }
0x20: {  	s15 =	sshll.u32 s15, $0xE;
	[sflag:s4] =	ssyncadd.s32 $0xFFFFC000  }
0x21: {  	s16 =	sor.u32 $0x10, s15;
	s31 =	sshrl.u32 s17, $0x2;
	s14 =	sshrl.u32 s14, $0x2  }
0x22: {  	s17 =	simm.s32 $0x0;
	s15 =	sor.u32 $0x8000, s31;
	s14 =	sor.u32 $0x8000, s14  }
.LBB1_3:
0x23: {  	v1 =	vld [tilespmem:s16+$0x0]  }
0x24: {  	v0 =	vld [tilespmem:s16+$0xFFFFFFF0];
	_ =	sdelay $0x2  }
0x25: {  	s20 =	sadd.s32 $0x0, s14  }
0x26: {  	s18 =	simm.s32 $0x4;
	s19 =	sadd.s32 $0x20, s16;
	[tilespmem:s20+$0x810 ss:$0x81] =	vst.msk $0xffff, v1  }
.LBB1_4:
0x27: {  	v1 =	vld [tilespmem:s19+$0x0];
	p1 =	sne.s32 s18, $0x1FC;
	[tilespmem:s20+$0x0 ss:$0x81] =	vst.msk $0xffff, v0;
	s20 =	smov.u32 s18;
	s18 =	sadd.s32 $0x4, s18  }
.Ltmp3:
0x28: {  	v0 =	vld [tilespmem:s19+$0xFFFFFFF0];
	(pc) =	sbr.rel @p1 .LBB1_4-.Ltmp3, $4  }
0x29: {  	_ = 	snop  }
0x2a: {  	s20 =	sshra.s32 s20, $0x2  }
0x2b: {  	s20 =	sadd.s32 s20, s14  }
0x2c: {  	s19 =	sadd.s32 $0x20, s19;
	[tilespmem:s20+$0x810 ss:$0x81] =	vst.msk $0xffff, v1  }
0x2d: {  	s17 =	sadd.s32 $0x1, s17  }
0x2e: {  	p1 =	sne.s32 s17, $0x4  }
.Ltmp4:
0x2f: {  	_ = 	snop;
	(pc) =	sbr.rel @p1 .LBB1_3-.Ltmp4, $2  }
0x30: {  	_ =	sdelay $0x2  }
0x31: {  	[tilespmem:s20+$0x0 ss:$0x81] =	vst.msk $0xffff, v0;
	s14 =	sadd.s32 $0x1020, s14;
	s16 =	sadd.s32 $0x1000, s16  }
.Ltmp5:
0x32: {  	(pc) =	sbr.rel .LBB1_7-.Ltmp5, $4  }
0x33: {  	s12 =	sshll.u32 s12, $0xE  }
0x34: {  	s13 =	sshll.u32 s13, $0x9;
	s12 =	sadd.s32 s3, s12  }
0x35: {  	s12 =	sadd.s32 s13, s12  }
0x36: {  	[hbm4b:s12+s9] =	stream.linear.scatter [tilespmem:s15], [sflag:$0x2], $0x4000, $0x20;
	[tilespmem:$0x10100] =	vst v63  }
.LBB1_8:
0x37: {  	_ =	sfence.sel $0x180000  }
0x38: {  	s2 =	simm.s32 $0x1;
	[bflag:$0x0] =	sbarrier.arrive $0xFFFF  }
0x39: {  	s31 =	simm.s32 $0x2;
	[sflag:s2] =	ssyncpa.u1 $0x1  }
0x3a: {  	[sflag:s31] =	ssyncpa.u1 $0x1  }
0x3b: {  	p0 =	sne.s32 s0, $0x0;
	_ =	strace $0x9000004A  }
0x3c: {  	s0 =	sadd.s32 @!p0 $0x100000, s1;
	[bflag:$0x2] =	sbarrier.arrive $0xFFFF  }
0x3d: {  	[sflag:s0] =	ssyncadd.tile.s32 @!p0 $0x1;
	_ =	shalt  }
.Lfunc_end1:
_tile_overlayer_lowered:
.L_overlay_start_2:
0x3e: {  	(tag) =	ssettag $0x2  }
0x3f: {  	s0 =	rddreg [dreg:$0x0];
	s2 =	stileid.u32  }
0x40: {  	s1 =	rddreg [dreg:$0x1];
	p0 =	sne.s32 s2, $0x0  }
0x41: {  	s3 =	rddreg [dreg:$0x2];
	[bflag:$0x3] =	sbarrier.arrive $0xFFFF;
	s2 =	simm.s32 @!p0 $0x1C01  }
0x42: {  	[timem:s3], [sflag:s2] =	dma.local @!p0 [hbm:s0], s1  }
0x43: {  	s0 =	simm.s32 @!p0 $0x1  }
0x44: {  	_ =	swait.ge @!p0 [sflag:s0], s1  }
0x45: {  	s1 =	ssub.s32 @!p0 $0x0, s1;
	[sflag:s0] =	ssyncset.done @!p0 $0x0  }
0x46: {  	[sflag:s0] =	ssyncadd.s32 @!p0 s1  }
0x47: {  	[bflag:$0x3] =	sbarrier.arrive $0xFFFF  }
0x48: {  	_ =	shalt  }

</sc_bundles>
